<compile_context>
chip_gen: v7x
topology: tpu7x:2x2x1
jax: 0.10.2.dev20260603
libtpu: 0.0.44.dev20260713+nightly
codegen_flags: <defaults>
</compile_context>

<pallas_src>
import functools

import jax
import jax.numpy as jnp
from jax import lax
from jax.experimental import pallas as pl
from jax.experimental.pallas import tpu as pltpu
from jax.experimental.pallas import tpu_sc as plsc

N = 10000
E = 320000
D = 128
H = 128
L = 4
G = 64

NC = 2
NS = 16
NW = NC * NS
CH = 80

NPAD = 10240
NB = 10
BN_ROWS = N // NB


def _make_agg_kernel():
    e_per_w = E // NW
    n_ch = e_per_w // CH
    rows_per_tile = NPAD // NS
    mesh = plsc.VectorSubcoreMesh(
        core_axis_name="c", subcore_axis_name="s", num_cores=NC, num_subcores=NS
    )

    @functools.partial(
        pl.kernel,
        mesh=mesh,
        out_type=jax.ShapeDtypeStruct((NC, NPAD, D), jnp.float32),
        scratch_types=[
            pltpu.VMEM((CH,), jnp.int32),
            pltpu.VMEM((CH,), jnp.int32),
            pltpu.VMEM((CH, D), jnp.float32),
            pltpu.VMEM_SHARED((NPAD, D), jnp.float32),
            pltpu.SemaphoreType.DMA,
        ],
    )
    def agg(h_hbm, src_hbm, dst_hbm, zeros_hbm, out_hbm,
            src_v, dst_v, rows_v, acc_sh, sem):
        cid = lax.axis_index("c")
        sid = lax.axis_index("s")
        wid = sid * NC + cid
        r0 = sid * rows_per_tile

        @pl.when(cid == 0)
        def _():
            pltpu.sync_copy(h_hbm.at[pl.ds(r0, rows_per_tile)],
                            acc_sh.at[pl.ds(r0, rows_per_tile)])

        @pl.when(cid != 0)
        def _():
            pltpu.sync_copy(zeros_hbm.at[pl.ds(r0, rows_per_tile)],
                            acc_sh.at[pl.ds(r0, rows_per_tile)])

        plsc.subcore_barrier()

        ebase = wid * e_per_w

        def body(i, carry):
            off = ebase + i * CH
            pltpu.sync_copy(src_hbm.at[pl.ds(off, CH)], src_v)
            pltpu.sync_copy(dst_hbm.at[pl.ds(off, CH)], dst_v)
            pltpu.async_copy(h_hbm.at[src_v], rows_v, sem).wait()
            pltpu.sync_copy(rows_v, acc_sh.at[dst_v], add=True)
            return carry

        lax.fori_loop(0, n_ch, body, 0)
        plsc.subcore_barrier()

        pltpu.sync_copy(acc_sh.at[pl.ds(r0, rows_per_tile)],
                        out_hbm.at[cid].at[pl.ds(r0, rows_per_tile)])

    return agg


_AGG_CACHE = {}


def _agg_call(h, src, dst, zeros):
    if "k" not in _AGG_CACHE:
        _AGG_CACHE["k"] = _make_agg_kernel()
    return _AGG_CACHE["k"](h, src, dst, zeros)


def _in_proj(x, W, b):
    def body(x_ref, w_ref, b_ref, o_ref):
        o_ref[...] = jnp.maximum(
            jnp.dot(x_ref[...], w_ref[...], preferred_element_type=jnp.float32)
            + b_ref[...], 0.0)

    return pl.pallas_call(
        body,
        grid=(NB,),
        in_specs=[
            pl.BlockSpec((BN_ROWS, D), lambda i: (i, 0)),
            pl.BlockSpec((D, H), lambda i: (0, 0)),
            pl.BlockSpec((1, H), lambda i: (0, 0)),
        ],
        out_specs=pl.BlockSpec((BN_ROWS, H), lambda i: (i, 0)),
        out_shape=jax.ShapeDtypeStruct((NPAD, H), jnp.float32),
    )(x, W, b.reshape(1, H))


def _mlp_stats(parts, W1, b1, W2, b2):

    def body(p0_ref, p1_ref, w1_ref, b1_ref, w2_ref, b2_ref,
             z_ref, s_ref, q_ref, c_ref):
        i = pl.program_id(0)
        u = p0_ref[0] + p1_ref[0]
        t = jnp.maximum(
            jnp.dot(u, w1_ref[...], preferred_element_type=jnp.float32)
            + b1_ref[...], 0.0)
        z = jnp.dot(t, w2_ref[...], preferred_element_type=jnp.float32) + b2_ref[...]
        z_ref[...] = z

        @pl.when(i == 0)
        def _():
            c_ref[...] = z[0:1, :]
            s_ref[...] = jnp.zeros_like(s_ref)
            q_ref[...] = jnp.zeros_like(q_ref)

        zc = z - c_ref[...]
        s_ref[...] += jnp.sum(zc, axis=0, keepdims=True)
        q_ref[...] += jnp.sum(zc * zc, axis=0, keepdims=True)

    return pl.pallas_call(
        body,
        grid=(NB,),
        in_specs=[
            pl.BlockSpec((1, BN_ROWS, H), lambda i: (0, i, 0)),
            pl.BlockSpec((1, BN_ROWS, H), lambda i: (1, i, 0)),
            pl.BlockSpec((H, 2 * H), lambda i: (0, 0)),
            pl.BlockSpec((1, 2 * H), lambda i: (0, 0)),
            pl.BlockSpec((2 * H, H), lambda i: (0, 0)),
            pl.BlockSpec((1, H), lambda i: (0, 0)),
        ],
        out_specs=[
            pl.BlockSpec((BN_ROWS, H), lambda i: (i, 0)),
            pl.BlockSpec((1, H), lambda i: (0, 0)),
            pl.BlockSpec((1, H), lambda i: (0, 0)),
            pl.BlockSpec((1, H), lambda i: (0, 0)),
        ],
        out_shape=[
            jax.ShapeDtypeStruct((N, H), jnp.float32),
            jax.ShapeDtypeStruct((1, H), jnp.float32),
            jax.ShapeDtypeStruct((1, H), jnp.float32),
            jax.ShapeDtypeStruct((1, H), jnp.float32),
        ],
    )(parts, parts, W1, b1.reshape(1, 2 * H), W2, b2.reshape(1, H))


def _bn_relu_pool(z, s, q, c, bn_w, bn_b, onehot):

    def body(z_ref, s_ref, q_ref, c_ref, w_ref, bb_ref, p_ref,
             h_ref, pool_ref):
        i = pl.program_id(0)
        m = s_ref[...] * (1.0 / N)
        mean = c_ref[...] + m
        var = q_ref[...] * (1.0 / N) - m * m
        inv = lax.rsqrt(var + 1e-5)
        scale = w_ref[...] * inv
        shift = bb_ref[...] - mean * scale
        hn = jnp.maximum(z_ref[...] * scale + shift, 0.0)
        h_ref[...] = hn

        @pl.when(i == 0)
        def _():
            pool_ref[...] = jnp.zeros_like(pool_ref)

        pool_ref[...] += lax.dot_general(
            p_ref[...], hn, (((0,), (0,)), ((), ())),
            precision=lax.Precision.HIGHEST,
            preferred_element_type=jnp.float32)

    return pl.pallas_call(
        body,
        grid=(NB,),
        in_specs=[
            pl.BlockSpec((BN_ROWS, H), lambda i: (i, 0)),
            pl.BlockSpec((1, H), lambda i: (0, 0)),
            pl.BlockSpec((1, H), lambda i: (0, 0)),
            pl.BlockSpec((1, H), lambda i: (0, 0)),
            pl.BlockSpec((1, H), lambda i: (0, 0)),
            pl.BlockSpec((1, H), lambda i: (0, 0)),
            pl.BlockSpec((BN_ROWS, G), lambda i: (i, 0)),
        ],
        out_specs=[
            pl.BlockSpec((BN_ROWS, H), lambda i: (i, 0)),
            pl.BlockSpec((G, H), lambda i: (0, 0)),
        ],
        out_shape=[
            jax.ShapeDtypeStruct((NPAD, H), jnp.float32),
            jax.ShapeDtypeStruct((G, H), jnp.float32),
        ],
    )(z, s, q, c, bn_w.reshape(1, H), bn_b.reshape(1, H), onehot)


def _readout(g, Ws1, bs1, Ws2, bs2, Wh1cat, bh1cat, Wh2blk, bh2row):
    NH = Wh2blk.shape[1]

    def body(g_ref, ws1_ref, bs1_ref, ws2_ref, bs2_ref,
             wh1_ref, bh1_ref, wh2_ref, bh2_ref, o_ref):
        s = jnp.maximum(
            jnp.dot(g_ref[...], ws1_ref[...], preferred_element_type=jnp.float32)
            + bs1_ref[...], 0.0)
        s = jnp.maximum(
            jnp.dot(s, ws2_ref[...], preferred_element_type=jnp.float32)
            + bs2_ref[...], 0.0)
        t = jnp.maximum(
            jnp.dot(s, wh1_ref[...], preferred_element_type=jnp.float32)
            + bh1_ref[...], 0.0)
        o_ref[...] = (jnp.dot(t, wh2_ref[...], preferred_element_type=jnp.float32)
                      + bh2_ref[...])

    return pl.pallas_call(
        body,
        out_shape=jax.ShapeDtypeStruct((G, NH), jnp.float32),
    )(g, Ws1, bs1.reshape(1, -1), Ws2, bs2.reshape(1, -1),
      Wh1cat, bh1cat.reshape(1, -1), Wh2blk, bh2row.reshape(1, -1))


def kernel(x, edge_index, batch, params):
    src = edge_index[0]
    dst = edge_index[1]
    zeros = jnp.zeros((NPAD, D), jnp.float32)
    onehot = (batch[:, None] == jnp.arange(G, dtype=batch.dtype)[None, :]
              ).astype(jnp.float32)

    h = _in_proj(x, params['in_W'], params['in_b'])

    pooled = []
    for l in range(L):
        p = params['layers'][l]
        parts = _agg_call(h, src, dst, zeros)
        z, s, q, c = _mlp_stats(parts, p['W1'], p['b1'], p['W2'], p['b2'])
        h, pool_l = _bn_relu_pool(z, s, q, c, p['bn_w'], p['bn_b'], onehot)
        pooled.append(pool_l)

    g = jnp.concatenate(pooled, axis=1)

    Wh1cat = jnp.concatenate([hd['W1'] for hd in params['heads']], axis=1)
    bh1cat = jnp.concatenate([hd['b1'] for hd in params['heads']])
    Wh2blk = jax.scipy.linalg.block_diag(*[hd['W2'] for hd in params['heads']])
    bh2row = jnp.concatenate([hd['b2'] for hd in params['heads']])

    out = _readout(g, params['Ws1'], params['bs1'], params['Ws2'], params['bs2'],
                   Wh1cat, bh1cat, Wh2blk, bh2row)
    return out.T

# --- scband reference (transcript-rebuilt; emitter-appended) ---
"""Pipeline reference for scband-meal-shield-gin-87806311399655 (READ-ONLY COPY).

The authoritative reference and input builder live on the scoring server;
editing this copy changes nothing except your own understanding.
"""

import jax, jax.numpy as jnp
import numpy as np

N = 10000
E = 320000
D = 128
H = 128
L = 4
G = 64
NUM_HEADS = 6


def _dense(k, fi, fo):
    kw, kb = jax.random.split(k)
    s = 1.0 / np.sqrt(fi)
    W = jax.random.uniform(kw, (fi, fo), minval=-s, maxval=s, dtype=jnp.float32)
    b = jax.random.uniform(kb, (fo,), minval=-s, maxval=s, dtype=jnp.float32)
    return W, b


def setup_inputs(seed: int = 0) -> dict:
    key = jax.random.key(seed)
    ks = jax.random.split(key, 64)
    x = jax.random.normal(ks[0], (N, D), dtype=jnp.float32)
    edge_index = jax.random.randint(ks[1], (2, E), 0, N, dtype=jnp.int32)
    batch = jnp.sort(jax.random.randint(ks[2], (N,), 0, G, dtype=jnp.int32))
    params = {}
    params['in_W'], params['in_b'] = _dense(ks[3], D, H)
    layers = []
    for l in range(L):
        kl = jax.random.split(ks[4 + l], 2)
        W1, b1 = _dense(kl[0], H, 2 * H)
        W2, b2 = _dense(kl[1], 2 * H, H)
        layers.append({'W1': W1, 'b1': b1, 'W2': W2, 'b2': b2,
                       'bn_w': jnp.ones((H,), jnp.float32), 'bn_b': jnp.zeros((H,), jnp.float32)})
    params['layers'] = layers
    params['Ws1'], params['bs1'] = _dense(ks[10], H * L, 256)
    params['Ws2'], params['bs2'] = _dense(ks[11], 256, 128)
    heads = []
    for i in range(NUM_HEADS):
        kh = jax.random.split(ks[12 + i], 2)
        Wh1, bh1 = _dense(kh[0], 128, 64)
        Wh2, bh2 = _dense(kh[1], 64, 1)
        heads.append({'W1': Wh1, 'b1': bh1, 'W2': Wh2, 'b2': bh2})
    params['heads'] = heads
    return {'x': x, 'edge_index': edge_index, 'batch': batch, 'params': params}


def reference(x, edge_index, batch, params):
    # input projection
    h = jax.nn.relu(x @ params['in_W'] + params['in_b'])
    src = edge_index[0]
    dst = edge_index[1]
    layer_outputs = []
    for l in range(L):
        p = params['layers'][l]
        # GINConv with eps=0: (1+eps)*x + sum_{j in N(i)} x_j, then MLP
        agg = jax.ops.segment_sum(h[src], dst, num_segments=N)
        z = h + agg
        z = jax.nn.relu(z @ p['W1'] + p['b1']) @ p['W2'] + p['b2']
        # BatchNorm1d (training-mode forward: batch statistics, biased var)
        mean = jnp.mean(z, axis=0)
        var = jnp.var(z, axis=0)
        z = (z - mean) / jnp.sqrt(var + 1e-5) * p['bn_w'] + p['bn_b']
        h = jax.nn.relu(z)
        # global_add_pool over graphs
        layer_outputs.append(jax.ops.segment_sum(h, batch, num_segments=G))
    g = jnp.concatenate(layer_outputs, axis=1)  # [G, H*L]
    s = jax.nn.relu(g @ params['Ws1'] + params['bs1'])
    s = jax.nn.relu(s @ params['Ws2'] + params['bs2'])  # dropout is identity in eval
    preds = []
    for hd in params['heads']:
        t = jax.nn.relu(s @ hd['W1'] + hd['b1'])
        preds.append((t @ hd['W2'] + hd['b2'])[:, 0])
    return jnp.stack(preds)  # [NUM_HEADS, G]

if __name__ == "__main__":
    import jax
    _d = setup_inputs()
    print(jax.jit(kernel)(*tuple(_d.values())))

</pallas_src>

<mosaic_0001>
#map = affine_map<(d0, d1) -> (0, 0)>
#map1 = affine_map<(d0, d1) -> (0)>
#map2 = affine_map<(d0, d1) -> (0, 0, 0)>
module attributes {stable_mosaic.version = 14 : i64} {
  func.func @agg(%arg0: i32, %arg1: i32, %arg2: memref<10240x128xf32, #tpu.memory_space<hbm>>, %arg3: memref<320000xi32, #tpu.memory_space<hbm>>, %arg4: memref<320000xi32, #tpu.memory_space<hbm>>, %arg5: memref<10240x128xf32, #tpu.memory_space<hbm>>, %arg6: memref<2x10240x128xf32, #tpu.memory_space<hbm>>, %arg7: memref<80xi32, #tpu.memory_space<vmem>>, %arg8: memref<80xi32, #tpu.memory_space<vmem>>, %arg9: memref<80x128xf32, #tpu.memory_space<vmem>>, %arg10: memref<10240x128xf32, #tpu.memory_space<vmem_shared>>, %arg11: memref<!tpu.dma_semaphore, #tpu.memory_space<semaphore_mem>>) attributes {dimension_semantics = [#tpu.dimension_semantics<core_parallel>, #tpu.dimension_semantics<subcore_parallel>], iteration_bounds = array<i64: 2, 16>, scalar_prefetch = 0 : i64, scratch_operands = 5 : i64, tpu.core_type = #tpu.core_type<sc_vector_subcore>, window_params = [{transform_indices = #map}, {transform_indices = #map1}, {transform_indices = #map1}, {transform_indices = #map}, {transform_indices = #map2}]} {
    %mul3A = arith.constant 2 : i32
    %mul3A_0 = arith.muli %arg1, %mul3A : i32
    %add3A = arith.addi %mul3A_0, %arg0 : i32
    %mul3A_1 = arith.constant 640 : i32
    %mul3A_2 = arith.muli %arg1, %mul3A_1 : i32
    %eq3A = arith.constant 0 : i32
    %eq3A_3 = arith.cmpi eq, %arg0, %eq3A : i32
    %convert_element_type3A = arith.extui %eq3A_3 : i1 to i32
    %cond3A = arith.constant 0 : i32
    %cond3A_4 = arith.cmpi ne, %convert_element_type3A, %cond3A : i32
    scf.if %cond3A_4 {
      "tpu.region"() ({
        %run_scoped3A = tpu.sem_alloc : memref<!tpu.dma_semaphore, #tpu.memory_space<semaphore_mem>>
        %dma_start3A = arith.constant 0 : i32
        %dma_start3A_17 = tpu.memref_slice %arg10[%mul3A_2, %dma_start3A] : memref<10240x128xf32, #tpu.memory_space<vmem_shared>> -> memref<640x128xf32, #tpu.memory_space<vmem_shared>>
        %dma_start3A_18 = arith.constant 0 : i32
        %dma_start3A_19 = tpu.memref_slice %arg2[%mul3A_2, %dma_start3A_18] : memref<10240x128xf32, #tpu.memory_space<hbm>> -> memref<640x128xf32, #tpu.memory_space<hbm>>
        tpu.enqueue_dma source(%dma_start3A_19 : memref<640x128xf32, #tpu.memory_space<hbm>>) target(%dma_start3A_17 : memref<640x128xf32, #tpu.memory_space<vmem_shared>>) target_semaphore(%run_scoped3A : memref<!tpu.dma_semaphore, #tpu.memory_space<semaphore_mem>>)
        %dma_wait3A = arith.constant 0 : i32
        %dma_wait3A_20 = tpu.memref_slice %arg10[%mul3A_2, %dma_wait3A] : memref<10240x128xf32, #tpu.memory_space<vmem_shared>> -> memref<640x128xf32, #tpu.memory_space<vmem_shared>>
        %dma_wait3A_21 = arith.constant 0 : i32
        %dma_wait3A_22 = tpu.memref_slice %arg2[%mul3A_2, %dma_wait3A_21] : memref<10240x128xf32, #tpu.memory_space<hbm>> -> memref<640x128xf32, #tpu.memory_space<hbm>>
        tpu.wait_dma2 semaphore(%run_scoped3A : memref<!tpu.dma_semaphore, #tpu.memory_space<semaphore_mem>>) src(%dma_wait3A_22 : memref<640x128xf32, #tpu.memory_space<hbm>>) dst(%dma_wait3A_20 : memref<640x128xf32, #tpu.memory_space<vmem_shared>>)
        tpu.yield
      }) : () -> ()
    } else {
    }
    %ne3A = arith.constant 0 : i32
    %ne3A_5 = arith.cmpi ne, %arg0, %ne3A : i32
    %convert_element_type3A_6 = arith.extui %ne3A_5 : i1 to i32
    %cond3A_7 = arith.constant 0 : i32
    %cond3A_8 = arith.cmpi ne, %convert_element_type3A_6, %cond3A_7 : i32
    scf.if %cond3A_8 {
      "tpu.region"() ({
        %run_scoped3A = tpu.sem_alloc : memref<!tpu.dma_semaphore, #tpu.memory_space<semaphore_mem>>
        %dma_start3A = arith.constant 0 : i32
        %dma_start3A_17 = tpu.memref_slice %arg10[%mul3A_2, %dma_start3A] : memref<10240x128xf32, #tpu.memory_space<vmem_shared>> -> memref<640x128xf32, #tpu.memory_space<vmem_shared>>
        %dma_start3A_18 = arith.constant 0 : i32
        %dma_start3A_19 = tpu.memref_slice %arg5[%mul3A_2, %dma_start3A_18] : memref<10240x128xf32, #tpu.memory_space<hbm>> -> memref<640x128xf32, #tpu.memory_space<hbm>>
        tpu.enqueue_dma source(%dma_start3A_19 : memref<640x128xf32, #tpu.memory_space<hbm>>) target(%dma_start3A_17 : memref<640x128xf32, #tpu.memory_space<vmem_shared>>) target_semaphore(%run_scoped3A : memref<!tpu.dma_semaphore, #tpu.memory_space<semaphore_mem>>)
        %dma_wait3A = arith.constant 0 : i32
        %dma_wait3A_20 = tpu.memref_slice %arg10[%mul3A_2, %dma_wait3A] : memref<10240x128xf32, #tpu.memory_space<vmem_shared>> -> memref<640x128xf32, #tpu.memory_space<vmem_shared>>
        %dma_wait3A_21 = arith.constant 0 : i32
        %dma_wait3A_22 = tpu.memref_slice %arg5[%mul3A_2, %dma_wait3A_21] : memref<10240x128xf32, #tpu.memory_space<hbm>> -> memref<640x128xf32, #tpu.memory_space<hbm>>
        tpu.wait_dma2 semaphore(%run_scoped3A : memref<!tpu.dma_semaphore, #tpu.memory_space<semaphore_mem>>) src(%dma_wait3A_22 : memref<640x128xf32, #tpu.memory_space<hbm>>) dst(%dma_wait3A_20 : memref<640x128xf32, #tpu.memory_space<vmem_shared>>)
        tpu.yield
      }) : () -> ()
    } else {
    }
    %barrier3A = arith.constant 0 : index
    tpu.barrier barrier_id(%barrier3A)
    %mul3A_9 = arith.constant 10000 : i32
    %mul3A_10 = arith.muli %add3A, %mul3A_9 : i32
    %scan3A = arith.constant 0 : i32
    %scan3A_11 = arith.constant 0 : i32
    %scan3A_12 = arith.constant 125 : i32
    %scan3A_13 = arith.addi %scan3A_11, %scan3A_12 : i32
    %scan3A_14 = arith.constant 1 : i32
    scf.for %scan3A_17 = %scan3A_11 to %scan3A_13 step %scan3A_14  : i32 {
      %mul3A_18 = arith.constant 80 : i32
      %mul3A_19 = arith.muli %scan3A_17, %mul3A_18 : i32
      %add3A_20 = arith.addi %mul3A_10, %mul3A_19 : i32
      "tpu.region"() ({
        %run_scoped3A = tpu.sem_alloc : memref<!tpu.dma_semaphore, #tpu.memory_space<semaphore_mem>>
        %dma_start3A_25 = tpu.memref_slice %arg3[%add3A_20] : memref<320000xi32, #tpu.memory_space<hbm>> -> memref<80xi32, #tpu.memory_space<hbm>>
        %dma_start3A_26 = tpu.memref_slice %arg3[%add3A_20] : memref<320000xi32, #tpu.memory_space<hbm>> -> memref<80xi32, #tpu.memory_space<hbm>>
        tpu.enqueue_dma source(%dma_start3A_26 : memref<80xi32, #tpu.memory_space<hbm>>) target(%arg7 : memref<80xi32, #tpu.memory_space<vmem>>) target_semaphore(%run_scoped3A : memref<!tpu.dma_semaphore, #tpu.memory_space<semaphore_mem>>)
        %dma_wait3A_27 = tpu.memref_slice %arg3[%add3A_20] : memref<320000xi32, #tpu.memory_space<hbm>> -> memref<80xi32, #tpu.memory_space<hbm>>
        %dma_wait3A_28 = tpu.memref_slice %arg3[%add3A_20] : memref<320000xi32, #tpu.memory_space<hbm>> -> memref<80xi32, #tpu.memory_space<hbm>>
        tpu.wait_dma2 semaphore(%run_scoped3A : memref<!tpu.dma_semaphore, #tpu.memory_space<semaphore_mem>>) src(%dma_wait3A_28 : memref<80xi32, #tpu.memory_space<hbm>>) dst(%arg7 : memref<80xi32, #tpu.memory_space<vmem>>)
        tpu.yield
      }) : () -> ()
      "tpu.region"() ({
        %run_scoped3A = tpu.sem_alloc : memref<!tpu.dma_semaphore, #tpu.memory_space<semaphore_mem>>
        %dma_start3A_25 = tpu.memref_slice %arg4[%add3A_20] : memref<320000xi32, #tpu.memory_space<hbm>> -> memref<80xi32, #tpu.memory_space<hbm>>
        %dma_start3A_26 = tpu.memref_slice %arg4[%add3A_20] : memref<320000xi32, #tpu.memory_space<hbm>> -> memref<80xi32, #tpu.memory_space<hbm>>
        tpu.enqueue_dma source(%dma_start3A_26 : memref<80xi32, #tpu.memory_space<hbm>>) target(%arg8 : memref<80xi32, #tpu.memory_space<vmem>>) target_semaphore(%run_scoped3A : memref<!tpu.dma_semaphore, #tpu.memory_space<semaphore_mem>>)
        %dma_wait3A_27 = tpu.memref_slice %arg4[%add3A_20] : memref<320000xi32, #tpu.memory_space<hbm>> -> memref<80xi32, #tpu.memory_space<hbm>>
        %dma_wait3A_28 = tpu.memref_slice %arg4[%add3A_20] : memref<320000xi32, #tpu.memory_space<hbm>> -> memref<80xi32, #tpu.memory_space<hbm>>
        tpu.wait_dma2 semaphore(%run_scoped3A : memref<!tpu.dma_semaphore, #tpu.memory_space<semaphore_mem>>) src(%dma_wait3A_28 : memref<80xi32, #tpu.memory_space<hbm>>) dst(%arg8 : memref<80xi32, #tpu.memory_space<vmem>>)
        tpu.yield
      }) : () -> ()
      %dma_start3A = arith.constant 0 : i32
      %dma_start3A_21 = arith.constant 0 : i32
      %dma_start3A_22 = tpu.memref_slice %arg2[%dma_start3A, %dma_start3A_21] : memref<10240x128xf32, #tpu.memory_space<hbm>> -> memref<10240x128xf32, #tpu.memory_space<hbm>>
      tpu.enqueue_indirect_dma source(%dma_start3A_22 : memref<10240x128xf32, #tpu.memory_space<hbm>>) target(%arg9 : memref<80x128xf32, #tpu.memory_space<vmem>>) offsets(%arg7 : memref<80xi32, #tpu.memory_space<vmem>>) semaphore(%arg11 : memref<!tpu.dma_semaphore, #tpu.memory_space<semaphore_mem>>)
      %dma_wait3A = arith.constant 0 : i32
      %dma_wait3A_23 = arith.constant 0 : i32
      %dma_wait3A_24 = tpu.memref_slice %arg2[%dma_wait3A, %dma_wait3A_23] : memref<10240x128xf32, #tpu.memory_space<hbm>> -> memref<10240x128xf32, #tpu.memory_space<hbm>>
      tpu.wait_indirect_dma semaphore(%arg11 : memref<!tpu.dma_semaphore, #tpu.memory_space<semaphore_mem>>) src(%dma_wait3A_24 : memref<10240x128xf32, #tpu.memory_space<hbm>>) dst(%arg9 : memref<80x128xf32, #tpu.memory_space<vmem>>)
      "tpu.region"() ({
        %run_scoped3A = tpu.sem_alloc : memref<!tpu.dma_semaphore, #tpu.memory_space<semaphore_mem>>
        %dma_start3A_25 = arith.constant 0 : i32
        %dma_start3A_26 = arith.constant 0 : i32
        %dma_start3A_27 = tpu.memref_slice %arg10[%dma_start3A_25, %dma_start3A_26] : memref<10240x128xf32, #tpu.memory_space<vmem_shared>> -> memref<10240x128xf32, #tpu.memory_space<vmem_shared>>
        tpu.enqueue_indirect_dma source(%arg9 : memref<80x128xf32, #tpu.memory_space<vmem>>) target(%dma_start3A_27 : memref<10240x128xf32, #tpu.memory_space<vmem_shared>>) offsets(%arg8 : memref<80xi32, #tpu.memory_space<vmem>>) semaphore(%run_scoped3A : memref<!tpu.dma_semaphore, #tpu.memory_space<semaphore_mem>>) {add = true}
        %dma_wait3A_28 = arith.constant 0 : i32
        %dma_wait3A_29 = arith.constant 0 : i32
        %dma_wait3A_30 = tpu.memref_slice %arg10[%dma_wait3A_28, %dma_wait3A_29] : memref<10240x128xf32, #tpu.memory_space<vmem_shared>> -> memref<10240x128xf32, #tpu.memory_space<vmem_shared>>
        tpu.wait_indirect_dma semaphore(%run_scoped3A : memref<!tpu.dma_semaphore, #tpu.memory_space<semaphore_mem>>) src(%arg9 : memref<80x128xf32, #tpu.memory_space<vmem>>) dst(%dma_wait3A_30 : memref<10240x128xf32, #tpu.memory_space<vmem_shared>>)
        tpu.yield
      }) : () -> ()
    }
    %scan3A_15 = arith.constant 125 : i32
    %barrier3A_16 = arith.constant 0 : index
    tpu.barrier barrier_id(%barrier3A_16)
    "tpu.region"() ({
      %run_scoped3A = tpu.sem_alloc : memref<!tpu.dma_semaphore, #tpu.memory_space<semaphore_mem>>
      %dma_start3A = arith.constant 0 : i32
      %dma_start3A_17 = arith.constant 0 : i32
      %dma_start3A_18 = tpu.memref_slice %arg6[%arg0, %dma_start3A, %dma_start3A_17] : memref<2x10240x128xf32, #tpu.memory_space<hbm>> -> memref<1x10240x128xf32, #tpu.memory_space<hbm>>
      %dma_start3A_19 = tpu.memref_squeeze %dma_start3A_18 : memref<1x10240x128xf32, #tpu.memory_space<hbm>> -> memref<10240x128xf32, #tpu.memory_space<hbm>>
      %dma_start3A_20 = arith.constant 0 : i32
      %dma_start3A_21 = tpu.memref_slice %dma_start3A_19[%mul3A_2, %dma_start3A_20] : memref<10240x128xf32, #tpu.memory_space<hbm>> -> memref<640x128xf32, #tpu.memory_space<hbm>>
      %dma_start3A_22 = arith.constant 0 : i32
      %dma_start3A_23 = tpu.memref_slice %arg10[%mul3A_2, %dma_start3A_22] : memref<10240x128xf32, #tpu.memory_space<vmem_shared>> -> memref<640x128xf32, #tpu.memory_space<vmem_shared>>
      tpu.enqueue_dma source(%dma_start3A_23 : memref<640x128xf32, #tpu.memory_space<vmem_shared>>) target(%dma_start3A_21 : memref<640x128xf32, #tpu.memory_space<hbm>>) target_semaphore(%run_scoped3A : memref<!tpu.dma_semaphore, #tpu.memory_space<semaphore_mem>>)
      %dma_wait3A = arith.constant 0 : i32
      %dma_wait3A_24 = arith.constant 0 : i32
      %dma_wait3A_25 = tpu.memref_slice %arg6[%arg0, %dma_wait3A, %dma_wait3A_24] : memref<2x10240x128xf32, #tpu.memory_space<hbm>> -> memref<1x10240x128xf32, #tpu.memory_space<hbm>>
      %dma_wait3A_26 = tpu.memref_squeeze %dma_wait3A_25 : memref<1x10240x128xf32, #tpu.memory_space<hbm>> -> memref<10240x128xf32, #tpu.memory_space<hbm>>
      %dma_wait3A_27 = arith.constant 0 : i32
      %dma_wait3A_28 = tpu.memref_slice %dma_wait3A_26[%mul3A_2, %dma_wait3A_27] : memref<10240x128xf32, #tpu.memory_space<hbm>> -> memref<640x128xf32, #tpu.memory_space<hbm>>
      %dma_wait3A_29 = arith.constant 0 : i32
      %dma_wait3A_30 = tpu.memref_slice %arg10[%mul3A_2, %dma_wait3A_29] : memref<10240x128xf32, #tpu.memory_space<vmem_shared>> -> memref<640x128xf32, #tpu.memory_space<vmem_shared>>
      tpu.wait_dma2 semaphore(%run_scoped3A : memref<!tpu.dma_semaphore, #tpu.memory_space<semaphore_mem>>) src(%dma_wait3A_30 : memref<640x128xf32, #tpu.memory_space<vmem_shared>>) dst(%dma_wait3A_28 : memref<640x128xf32, #tpu.memory_space<hbm>>)
      tpu.yield
    }) : () -> ()
    return
  }
}

#map = affine_map<(d0, d1) -> (0, 0)>
#map1 = affine_map<(d0, d1) -> (0)>
#map2 = affine_map<(d0, d1) -> (0, 0, 0)>
module attributes {stable_mosaic.version = 14 : i64} {
  func.func @agg(%arg0: i32, %arg1: i32, %arg2: memref<10240x128xf32, #tpu.memory_space<hbm>>, %arg3: memref<320000xi32, #tpu.memory_space<hbm>>, %arg4: memref<320000xi32, #tpu.memory_space<hbm>>, %arg5: memref<10240x128xf32, #tpu.memory_space<hbm>>, %arg6: memref<2x10240x128xf32, #tpu.memory_space<hbm>>, %arg7: memref<80xi32, #tpu.memory_space<vmem>>, %arg8: memref<80xi32, #tpu.memory_space<vmem>>, %arg9: memref<80x128xf32, #tpu.memory_space<vmem>>, %arg10: memref<10240x128xf32, #tpu.memory_space<vmem_shared>>, %arg11: memref<!tpu.dma_semaphore, #tpu.memory_space<semaphore_mem>>) attributes {dimension_semantics = [#tpu.dimension_semantics<core_parallel>, #tpu.dimension_semantics<subcore_parallel>], iteration_bounds = array<i64: 2, 16>, scalar_prefetch = 0 : i64, scratch_operands = 5 : i64, tpu.core_type = #tpu.core_type<sc_vector_subcore>, window_params = [{transform_indices = #map}, {transform_indices = #map1}, {transform_indices = #map1}, {transform_indices = #map}, {transform_indices = #map2}]} {
    %mul3A = arith.constant 2 : i32
    %mul3A_0 = arith.muli %arg1, %mul3A : i32
    %add3A = arith.addi %mul3A_0, %arg0 : i32
    %mul3A_1 = arith.constant 640 : i32
    %mul3A_2 = arith.muli %arg1, %mul3A_1 : i32
    %eq3A = arith.constant 0 : i32
    %eq3A_3 = arith.cmpi eq, %arg0, %eq3A : i32
    %convert_element_type3A = arith.extui %eq3A_3 : i1 to i32
    %cond3A = arith.constant 0 : i32
    %cond3A_4 = arith.cmpi ne, %convert_element_type3A, %cond3A : i32
    scf.if %cond3A_4 {
      "tpu.region"() ({
        %run_scoped3A = tpu.sem_alloc : memref<!tpu.dma_semaphore, #tpu.memory_space<semaphore_mem>>
        %dma_start3A = arith.constant 0 : i32
        %dma_start3A_17 = tpu.memref_slice %arg10[%mul3A_2, %dma_start3A] : memref<10240x128xf32, #tpu.memory_space<vmem_shared>> -> memref<640x128xf32, #tpu.memory_space<vmem_shared>>
        %dma_start3A_18 = arith.constant 0 : i32
        %dma_start3A_19 = tpu.memref_slice %arg2[%mul3A_2, %dma_start3A_18] : memref<10240x128xf32, #tpu.memory_space<hbm>> -> memref<640x128xf32, #tpu.memory_space<hbm>>
        tpu.enqueue_dma source(%dma_start3A_19 : memref<640x128xf32, #tpu.memory_space<hbm>>) target(%dma_start3A_17 : memref<640x128xf32, #tpu.memory_space<vmem_shared>>) target_semaphore(%run_scoped3A : memref<!tpu.dma_semaphore, #tpu.memory_space<semaphore_mem>>)
        %dma_wait3A = arith.constant 0 : i32
        %dma_wait3A_20 = tpu.memref_slice %arg10[%mul3A_2, %dma_wait3A] : memref<10240x128xf32, #tpu.memory_space<vmem_shared>> -> memref<640x128xf32, #tpu.memory_space<vmem_shared>>
        %dma_wait3A_21 = arith.constant 0 : i32
        %dma_wait3A_22 = tpu.memref_slice %arg2[%mul3A_2, %dma_wait3A_21] : memref<10240x128xf32, #tpu.memory_space<hbm>> -> memref<640x128xf32, #tpu.memory_space<hbm>>
        tpu.wait_dma2 semaphore(%run_scoped3A : memref<!tpu.dma_semaphore, #tpu.memory_space<semaphore_mem>>) src(%dma_wait3A_22 : memref<640x128xf32, #tpu.memory_space<hbm>>) dst(%dma_wait3A_20 : memref<640x128xf32, #tpu.memory_space<vmem_shared>>)
        tpu.yield
      }) : () -> ()
    } else {
    }
    %ne3A = arith.constant 0 : i32
    %ne3A_5 = arith.cmpi ne, %arg0, %ne3A : i32
    %convert_element_type3A_6 = arith.extui %ne3A_5 : i1 to i32
    %cond3A_7 = arith.constant 0 : i32
    %cond3A_8 = arith.cmpi ne, %convert_element_type3A_6, %cond3A_7 : i32
    scf.if %cond3A_8 {
      "tpu.region"() ({
        %run_scoped3A = tpu.sem_alloc : memref<!tpu.dma_semaphore, #tpu.memory_space<semaphore_mem>>
        %dma_start3A = arith.constant 0 : i32
        %dma_start3A_17 = tpu.memref_slice %arg10[%mul3A_2, %dma_start3A] : memref<10240x128xf32, #tpu.memory_space<vmem_shared>> -> memref<640x128xf32, #tpu.memory_space<vmem_shared>>
        %dma_start3A_18 = arith.constant 0 : i32
        %dma_start3A_19 = tpu.memref_slice %arg5[%mul3A_2, %dma_start3A_18] : memref<10240x128xf32, #tpu.memory_space<hbm>> -> memref<640x128xf32, #tpu.memory_space<hbm>>
        tpu.enqueue_dma source(%dma_start3A_19 : memref<640x128xf32, #tpu.memory_space<hbm>>) target(%dma_start3A_17 : memref<640x128xf32, #tpu.memory_space<vmem_shared>>) target_semaphore(%run_scoped3A : memref<!tpu.dma_semaphore, #tpu.memory_space<semaphore_mem>>)
        %dma_wait3A = arith.constant 0 : i32
        %dma_wait3A_20 = tpu.memref_slice %arg10[%mul3A_2, %dma_wait3A] : memref<10240x128xf32, #tpu.memory_space<vmem_shared>> -> memref<640x128xf32, #tpu.memory_space<vmem_shared>>
        %dma_wait3A_21 = arith.constant 0 : i32
        %dma_wait3A_22 = tpu.memref_slice %arg5[%mul3A_2, %dma_wait3A_21] : memref<10240x128xf32, #tpu.memory_space<hbm>> -> memref<640x128xf32, #tpu.memory_space<hbm>>
        tpu.wait_dma2 semaphore(%run_scoped3A : memref<!tpu.dma_semaphore, #tpu.memory_space<semaphore_mem>>) src(%dma_wait3A_22 : memref<640x128xf32, #tpu.memory_space<hbm>>) dst(%dma_wait3A_20 : memref<640x128xf32, #tpu.memory_space<vmem_shared>>)
        tpu.yield
      }) : () -> ()
    } else {
    }
    %barrier3A = arith.constant 0 : index
    tpu.barrier barrier_id(%barrier3A)
    %mul3A_9 = arith.constant 10000 : i32
    %mul3A_10 = arith.muli %add3A, %mul3A_9 : i32
    %scan3A = arith.constant 0 : i32
    %scan3A_11 = arith.constant 0 : i32
    %scan3A_12 = arith.constant 125 : i32
    %scan3A_13 = arith.addi %scan3A_11, %scan3A_12 : i32
    %scan3A_14 = arith.constant 1 : i32
    scf.for %scan3A_17 = %scan3A_11 to %scan3A_13 step %scan3A_14  : i32 {
      %mul3A_18 = arith.constant 80 : i32
      %mul3A_19 = arith.muli %scan3A_17, %mul3A_18 : i32
      %add3A_20 = arith.addi %mul3A_10, %mul3A_19 : i32
      "tpu.region"() ({
        %run_scoped3A = tpu.sem_alloc : memref<!tpu.dma_semaphore, #tpu.memory_space<semaphore_mem>>
        %dma_start3A_25 = tpu.memref_slice %arg3[%add3A_20] : memref<320000xi32, #tpu.memory_space<hbm>> -> memref<80xi32, #tpu.memory_space<hbm>>
        %dma_start3A_26 = tpu.memref_slice %arg3[%add3A_20] : memref<320000xi32, #tpu.memory_space<hbm>> -> memref<80xi32, #tpu.memory_space<hbm>>
        tpu.enqueue_dma source(%dma_start3A_26 : memref<80xi32, #tpu.memory_space<hbm>>) target(%arg7 : memref<80xi32, #tpu.memory_space<vmem>>) target_semaphore(%run_scoped3A : memref<!tpu.dma_semaphore, #tpu.memory_space<semaphore_mem>>)
        %dma_wait3A_27 = tpu.memref_slice %arg3[%add3A_20] : memref<320000xi32, #tpu.memory_space<hbm>> -> memref<80xi32, #tpu.memory_space<hbm>>
        %dma_wait3A_28 = tpu.memref_slice %arg3[%add3A_20] : memref<320000xi32, #tpu.memory_space<hbm>> -> memref<80xi32, #tpu.memory_space<hbm>>
        tpu.wait_dma2 semaphore(%run_scoped3A : memref<!tpu.dma_semaphore, #tpu.memory_space<semaphore_mem>>) src(%dma_wait3A_28 : memref<80xi32, #tpu.memory_space<hbm>>) dst(%arg7 : memref<80xi32, #tpu.memory_space<vmem>>)
        tpu.yield
      }) : () -> ()
      "tpu.region"() ({
        %run_scoped3A = tpu.sem_alloc : memref<!tpu.dma_semaphore, #tpu.memory_space<semaphore_mem>>
        %dma_start3A_25 = tpu.memref_slice %arg4[%add3A_20] : memref<320000xi32, #tpu.memory_space<hbm>> -> memref<80xi32, #tpu.memory_space<hbm>>
        %dma_start3A_26 = tpu.memref_slice %arg4[%add3A_20] : memref<320000xi32, #tpu.memory_space<hbm>> -> memref<80xi32, #tpu.memory_space<hbm>>
        tpu.enqueue_dma source(%dma_start3A_26 : memref<80xi32, #tpu.memory_space<hbm>>) target(%arg8 : memref<80xi32, #tpu.memory_space<vmem>>) target_semaphore(%run_scoped3A : memref<!tpu.dma_semaphore, #tpu.memory_space<semaphore_mem>>)
        %dma_wait3A_27 = tpu.memref_slice %arg4[%add3A_20] : memref<320000xi32, #tpu.memory_space<hbm>> -> memref<80xi32, #tpu.memory_space<hbm>>
        %dma_wait3A_28 = tpu.memref_slice %arg4[%add3A_20] : memref<320000xi32, #tpu.memory_space<hbm>> -> memref<80xi32, #tpu.memory_space<hbm>>
        tpu.wait_dma2 semaphore(%run_scoped3A : memref<!tpu.dma_semaphore, #tpu.memory_space<semaphore_mem>>) src(%dma_wait3A_28 : memref<80xi32, #tpu.memory_space<hbm>>) dst(%arg8 : memref<80xi32, #tpu.memory_space<vmem>>)
        tpu.yield
      }) : () -> ()
      %dma_start3A = arith.constant 0 : i32
      %dma_start3A_21 = arith.constant 0 : i32
      %dma_start3A_22 = tpu.memref_slice %arg2[%dma_start3A, %dma_start3A_21] : memref<10240x128xf32, #tpu.memory_space<hbm>> -> memref<10240x128xf32, #tpu.memory_space<hbm>>
      tpu.enqueue_indirect_dma source(%dma_start3A_22 : memref<10240x128xf32, #tpu.memory_space<hbm>>) target(%arg9 : memref<80x128xf32, #tpu.memory_space<vmem>>) offsets(%arg7 : memref<80xi32, #tpu.memory_space<vmem>>) semaphore(%arg11 : memref<!tpu.dma_semaphore, #tpu.memory_space<semaphore_mem>>)
      %dma_wait3A = arith.constant 0 : i32
      %dma_wait3A_23 = arith.constant 0 : i32
      %dma_wait3A_24 = tpu.memref_slice %arg2[%dma_wait3A, %dma_wait3A_23] : memref<10240x128xf32, #tpu.memory_space<hbm>> -> memref<10240x128xf32, #tpu.memory_space<hbm>>
      tpu.wait_indirect_dma semaphore(%arg11 : memref<!tpu.dma_semaphore, #tpu.memory_space<semaphore_mem>>) src(%dma_wait3A_24 : memref<10240x128xf32, #tpu.memory_space<hbm>>) dst(%arg9 : memref<80x128xf32, #tpu.memory_space<vmem>>)
      "tpu.region"() ({
        %run_scoped3A = tpu.sem_alloc : memref<!tpu.dma_semaphore, #tpu.memory_space<semaphore_mem>>
        %dma_start3A_25 = arith.constant 0 : i32
        %dma_start3A_26 = arith.constant 0 : i32
        %dma_start3A_27 = tpu.memref_slice %arg10[%dma_start3A_25, %dma_start3A_26] : memref<10240x128xf32, #tpu.memory_space<vmem_shared>> -> memref<10240x128xf32, #tpu.memory_space<vmem_shared>>
        tpu.enqueue_indirect_dma source(%arg9 : memref<80x128xf32, #tpu.memory_space<vmem>>) target(%dma_start3A_27 : memref<10240x128xf32, #tpu.memory_space<vmem_shared>>) offsets(%arg8 : memref<80xi32, #tpu.memory_space<vmem>>) semaphore(%run_scoped3A : memref<!tpu.dma_semaphore, #tpu.memory_space<semaphore_mem>>) {add = true}
        %dma_wait3A_28 = arith.constant 0 : i32
        %dma_wait3A_29 = arith.constant 0 : i32
        %dma_wait3A_30 = tpu.memref_slice %arg10[%dma_wait3A_28, %dma_wait3A_29] : memref<10240x128xf32, #tpu.memory_space<vmem_shared>> -> memref<10240x128xf32, #tpu.memory_space<vmem_shared>>
        tpu.wait_indirect_dma semaphore(%run_scoped3A : memref<!tpu.dma_semaphore, #tpu.memory_space<semaphore_mem>>) src(%arg9 : memref<80x128xf32, #tpu.memory_space<vmem>>) dst(%dma_wait3A_30 : memref<10240x128xf32, #tpu.memory_space<vmem_shared>>)
        tpu.yield
      }) : () -> ()
    }
    %scan3A_15 = arith.constant 125 : i32
    %barrier3A_16 = arith.constant 0 : index
    tpu.barrier barrier_id(%barrier3A_16)
    "tpu.region"() ({
      %run_scoped3A = tpu.sem_alloc : memref<!tpu.dma_semaphore, #tpu.memory_space<semaphore_mem>>
      %dma_start3A = arith.constant 0 : i32
      %dma_start3A_17 = arith.constant 0 : i32
      %dma_start3A_18 = tpu.memref_slice %arg6[%arg0, %dma_start3A, %dma_start3A_17] : memref<2x10240x128xf32, #tpu.memory_space<hbm>> -> memref<1x10240x128xf32, #tpu.memory_space<hbm>>
      %dma_start3A_19 = tpu.memref_squeeze %dma_start3A_18 : memref<1x10240x128xf32, #tpu.memory_space<hbm>> -> memref<10240x128xf32, #tpu.memory_space<hbm>>
      %dma_start3A_20 = arith.constant 0 : i32
      %dma_start3A_21 = tpu.memref_slice %dma_start3A_19[%mul3A_2, %dma_start3A_20] : memref<10240x128xf32, #tpu.memory_space<hbm>> -> memref<640x128xf32, #tpu.memory_space<hbm>>
      %dma_start3A_22 = arith.constant 0 : i32
      %dma_start3A_23 = tpu.memref_slice %arg10[%mul3A_2, %dma_start3A_22] : memref<10240x128xf32, #tpu.memory_space<vmem_shared>> -> memref<640x128xf32, #tpu.memory_space<vmem_shared>>
      tpu.enqueue_dma source(%dma_start3A_23 : memref<640x128xf32, #tpu.memory_space<vmem_shared>>) target(%dma_start3A_21 : memref<640x128xf32, #tpu.memory_space<hbm>>) target_semaphore(%run_scoped3A : memref<!tpu.dma_semaphore, #tpu.memory_space<semaphore_mem>>)
      %dma_wait3A = arith.constant 0 : i32
      %dma_wait3A_24 = arith.constant 0 : i32
      %dma_wait3A_25 = tpu.memref_slice %arg6[%arg0, %dma_wait3A, %dma_wait3A_24] : memref<2x10240x128xf32, #tpu.memory_space<hbm>> -> memref<1x10240x128xf32, #tpu.memory_space<hbm>>
      %dma_wait3A_26 = tpu.memref_squeeze %dma_wait3A_25 : memref<1x10240x128xf32, #tpu.memory_space<hbm>> -> memref<10240x128xf32, #tpu.memory_space<hbm>>
      %dma_wait3A_27 = arith.constant 0 : i32
      %dma_wait3A_28 = tpu.memref_slice %dma_wait3A_26[%mul3A_2, %dma_wait3A_27] : memref<10240x128xf32, #tpu.memory_space<hbm>> -> memref<640x128xf32, #tpu.memory_space<hbm>>
      %dma_wait3A_29 = arith.constant 0 : i32
      %dma_wait3A_30 = tpu.memref_slice %arg10[%mul3A_2, %dma_wait3A_29] : memref<10240x128xf32, #tpu.memory_space<vmem_shared>> -> memref<640x128xf32, #tpu.memory_space<vmem_shared>>
      tpu.wait_dma2 semaphore(%run_scoped3A : memref<!tpu.dma_semaphore, #tpu.memory_space<semaphore_mem>>) src(%dma_wait3A_30 : memref<640x128xf32, #tpu.memory_space<vmem_shared>>) dst(%dma_wait3A_28 : memref<640x128xf32, #tpu.memory_space<hbm>>)
      tpu.yield
    }) : () -> ()
    return
  }
}

#map = affine_map<(d0, d1) -> (0, 0)>
#map1 = affine_map<(d0, d1) -> (0)>
#map2 = affine_map<(d0, d1) -> (0, 0, 0)>
module attributes {stable_mosaic.version = 14 : i64} {
  func.func @agg(%arg0: i32, %arg1: i32, %arg2: memref<10240x128xf32, #tpu.memory_space<hbm>>, %arg3: memref<320000xi32, #tpu.memory_space<hbm>>, %arg4: memref<320000xi32, #tpu.memory_space<hbm>>, %arg5: memref<10240x128xf32, #tpu.memory_space<hbm>>, %arg6: memref<2x10240x128xf32, #tpu.memory_space<hbm>>, %arg7: memref<80xi32, #tpu.memory_space<vmem>>, %arg8: memref<80xi32, #tpu.memory_space<vmem>>, %arg9: memref<80x128xf32, #tpu.memory_space<vmem>>, %arg10: memref<10240x128xf32, #tpu.memory_space<vmem_shared>>, %arg11: memref<!tpu.dma_semaphore, #tpu.memory_space<semaphore_mem>>) attributes {dimension_semantics = [#tpu.dimension_semantics<core_parallel>, #tpu.dimension_semantics<subcore_parallel>], iteration_bounds = array<i64: 2, 16>, scalar_prefetch = 0 : i64, scratch_operands = 5 : i64, tpu.core_type = #tpu.core_type<sc_vector_subcore>, window_params = [{transform_indices = #map}, {transform_indices = #map1}, {transform_indices = #map1}, {transform_indices = #map}, {transform_indices = #map2}]} {
    %mul3A = arith.constant 2 : i32
    %mul3A_0 = arith.muli %arg1, %mul3A : i32
    %add3A = arith.addi %mul3A_0, %arg0 : i32
    %mul3A_1 = arith.constant 640 : i32
    %mul3A_2 = arith.muli %arg1, %mul3A_1 : i32
    %eq3A = arith.constant 0 : i32
    %eq3A_3 = arith.cmpi eq, %arg0, %eq3A : i32
    %convert_element_type3A = arith.extui %eq3A_3 : i1 to i32
    %cond3A = arith.constant 0 : i32
    %cond3A_4 = arith.cmpi ne, %convert_element_type3A, %cond3A : i32
    scf.if %cond3A_4 {
      "tpu.region"() ({
        %run_scoped3A = tpu.sem_alloc : memref<!tpu.dma_semaphore, #tpu.memory_space<semaphore_mem>>
        %dma_start3A = arith.constant 0 : i32
        %dma_start3A_17 = tpu.memref_slice %arg10[%mul3A_2, %dma_start3A] : memref<10240x128xf32, #tpu.memory_space<vmem_shared>> -> memref<640x128xf32, #tpu.memory_space<vmem_shared>>
        %dma_start3A_18 = arith.constant 0 : i32
        %dma_start3A_19 = tpu.memref_slice %arg2[%mul3A_2, %dma_start3A_18] : memref<10240x128xf32, #tpu.memory_space<hbm>> -> memref<640x128xf32, #tpu.memory_space<hbm>>
        tpu.enqueue_dma source(%dma_start3A_19 : memref<640x128xf32, #tpu.memory_space<hbm>>) target(%dma_start3A_17 : memref<640x128xf32, #tpu.memory_space<vmem_shared>>) target_semaphore(%run_scoped3A : memref<!tpu.dma_semaphore, #tpu.memory_space<semaphore_mem>>)
        %dma_wait3A = arith.constant 0 : i32
        %dma_wait3A_20 = tpu.memref_slice %arg10[%mul3A_2, %dma_wait3A] : memref<10240x128xf32, #tpu.memory_space<vmem_shared>> -> memref<640x128xf32, #tpu.memory_space<vmem_shared>>
        %dma_wait3A_21 = arith.constant 0 : i32
        %dma_wait3A_22 = tpu.memref_slice %arg2[%mul3A_2, %dma_wait3A_21] : memref<10240x128xf32, #tpu.memory_space<hbm>> -> memref<640x128xf32, #tpu.memory_space<hbm>>
        tpu.wait_dma2 semaphore(%run_scoped3A : memref<!tpu.dma_semaphore, #tpu.memory_space<semaphore_mem>>) src(%dma_wait3A_22 : memref<640x128xf32, #tpu.memory_space<hbm>>) dst(%dma_wait3A_20 : memref<640x128xf32, #tpu.memory_space<vmem_shared>>)
        tpu.yield
      }) : () -> ()
    } else {
    }
    %ne3A = arith.constant 0 : i32
    %ne3A_5 = arith.cmpi ne, %arg0, %ne3A : i32
    %convert_element_type3A_6 = arith.extui %ne3A_5 : i1 to i32
    %cond3A_7 = arith.constant 0 : i32
    %cond3A_8 = arith.cmpi ne, %convert_element_type3A_6, %cond3A_7 : i32
    scf.if %cond3A_8 {
      "tpu.region"() ({
        %run_scoped3A = tpu.sem_alloc : memref<!tpu.dma_semaphore, #tpu.memory_space<semaphore_mem>>
        %dma_start3A = arith.constant 0 : i32
        %dma_start3A_17 = tpu.memref_slice %arg10[%mul3A_2, %dma_start3A] : memref<10240x128xf32, #tpu.memory_space<vmem_shared>> -> memref<640x128xf32, #tpu.memory_space<vmem_shared>>
        %dma_start3A_18 = arith.constant 0 : i32
        %dma_start3A_19 = tpu.memref_slice %arg5[%mul3A_2, %dma_start3A_18] : memref<10240x128xf32, #tpu.memory_space<hbm>> -> memref<640x128xf32, #tpu.memory_space<hbm>>
        tpu.enqueue_dma source(%dma_start3A_19 : memref<640x128xf32, #tpu.memory_space<hbm>>) target(%dma_start3A_17 : memref<640x128xf32, #tpu.memory_space<vmem_shared>>) target_semaphore(%run_scoped3A : memref<!tpu.dma_semaphore, #tpu.memory_space<semaphore_mem>>)
        %dma_wait3A = arith.constant 0 : i32
        %dma_wait3A_20 = tpu.memref_slice %arg10[%mul3A_2, %dma_wait3A] : memref<10240x128xf32, #tpu.memory_space<vmem_shared>> -> memref<640x128xf32, #tpu.memory_space<vmem_shared>>
        %dma_wait3A_21 = arith.constant 0 : i32
        %dma_wait3A_22 = tpu.memref_slice %arg5[%mul3A_2, %dma_wait3A_21] : memref<10240x128xf32, #tpu.memory_space<hbm>> -> memref<640x128xf32, #tpu.memory_space<hbm>>
        tpu.wait_dma2 semaphore(%run_scoped3A : memref<!tpu.dma_semaphore, #tpu.memory_space<semaphore_mem>>) src(%dma_wait3A_22 : memref<640x128xf32, #tpu.memory_space<hbm>>) dst(%dma_wait3A_20 : memref<640x128xf32, #tpu.memory_space<vmem_shared>>)
        tpu.yield
      }) : () -> ()
    } else {
    }
    %barrier3A = arith.constant 0 : index
    tpu.barrier barrier_id(%barrier3A)
    %mul3A_9 = arith.constant 10000 : i32
    %mul3A_10 = arith.muli %add3A, %mul3A_9 : i32
    %scan3A = arith.constant 0 : i32
    %scan3A_11 = arith.constant 0 : i32
    %scan3A_12 = arith.constant 125 : i32
    %scan3A_13 = arith.addi %scan3A_11, %scan3A_12 : i32
    %scan3A_14 = arith.constant 1 : i32
    scf.for %scan3A_17 = %scan3A_11 to %scan3A_13 step %scan3A_14  : i32 {
      %mul3A_18 = arith.constant 80 : i32
      %mul3A_19 = arith.muli %scan3A_17, %mul3A_18 : i32
      %add3A_20 = arith.addi %mul3A_10, %mul3A_19 : i32
      "tpu.region"() ({
        %run_scoped3A = tpu.sem_alloc : memref<!tpu.dma_semaphore, #tpu.memory_space<semaphore_mem>>
        %dma_start3A_25 = tpu.memref_slice %arg3[%add3A_20] : memref<320000xi32, #tpu.memory_space<hbm>> -> memref<80xi32, #tpu.memory_space<hbm>>
        %dma_start3A_26 = tpu.memref_slice %arg3[%add3A_20] : memref<320000xi32, #tpu.memory_space<hbm>> -> memref<80xi32, #tpu.memory_space<hbm>>
        tpu.enqueue_dma source(%dma_start3A_26 : memref<80xi32, #tpu.memory_space<hbm>>) target(%arg7 : memref<80xi32, #tpu.memory_space<vmem>>) target_semaphore(%run_scoped3A : memref<!tpu.dma_semaphore, #tpu.memory_space<semaphore_mem>>)
        %dma_wait3A_27 = tpu.memref_slice %arg3[%add3A_20] : memref<320000xi32, #tpu.memory_space<hbm>> -> memref<80xi32, #tpu.memory_space<hbm>>
        %dma_wait3A_28 = tpu.memref_slice %arg3[%add3A_20] : memref<320000xi32, #tpu.memory_space<hbm>> -> memref<80xi32, #tpu.memory_space<hbm>>
        tpu.wait_dma2 semaphore(%run_scoped3A : memref<!tpu.dma_semaphore, #tpu.memory_space<semaphore_mem>>) src(%dma_wait3A_28 : memref<80xi32, #tpu.memory_space<hbm>>) dst(%arg7 : memref<80xi32, #tpu.memory_space<vmem>>)
        tpu.yield
      }) : () -> ()
      "tpu.region"() ({
        %run_scoped3A = tpu.sem_alloc : memref<!tpu.dma_semaphore, #tpu.memory_space<semaphore_mem>>
        %dma_start3A_25 = tpu.memref_slice %arg4[%add3A_20] : memref<320000xi32, #tpu.memory_space<hbm>> -> memref<80xi32, #tpu.memory_space<hbm>>
        %dma_start3A_26 = tpu.memref_slice %arg4[%add3A_20] : memref<320000xi32, #tpu.memory_space<hbm>> -> memref<80xi32, #tpu.memory_space<hbm>>
        tpu.enqueue_dma source(%dma_start3A_26 : memref<80xi32, #tpu.memory_space<hbm>>) target(%arg8 : memref<80xi32, #tpu.memory_space<vmem>>) target_semaphore(%run_scoped3A : memref<!tpu.dma_semaphore, #tpu.memory_space<semaphore_mem>>)
        %dma_wait3A_27 = tpu.memref_slice %arg4[%add3A_20] : memref<320000xi32, #tpu.memory_space<hbm>> -> memref<80xi32, #tpu.memory_space<hbm>>
        %dma_wait3A_28 = tpu.memref_slice %arg4[%add3A_20] : memref<320000xi32, #tpu.memory_space<hbm>> -> memref<80xi32, #tpu.memory_space<hbm>>
        tpu.wait_dma2 semaphore(%run_scoped3A : memref<!tpu.dma_semaphore, #tpu.memory_space<semaphore_mem>>) src(%dma_wait3A_28 : memref<80xi32, #tpu.memory_space<hbm>>) dst(%arg8 : memref<80xi32, #tpu.memory_space<vmem>>)
        tpu.yield
      }) : () -> ()
      %dma_start3A = arith.constant 0 : i32
      %dma_start3A_21 = arith.constant 0 : i32
      %dma_start3A_22 = tpu.memref_slice %arg2[%dma_start3A, %dma_start3A_21] : memref<10240x128xf32, #tpu.memory_space<hbm>> -> memref<10240x128xf32, #tpu.memory_space<hbm>>
      tpu.enqueue_indirect_dma source(%dma_start3A_22 : memref<10240x128xf32, #tpu.memory_space<hbm>>) target(%arg9 : memref<80x128xf32, #tpu.memory_space<vmem>>) offsets(%arg7 : memref<80xi32, #tpu.memory_space<vmem>>) semaphore(%arg11 : memref<!tpu.dma_semaphore, #tpu.memory_space<semaphore_mem>>)
      %dma_wait3A = arith.constant 0 : i32
      %dma_wait3A_23 = arith.constant 0 : i32
      %dma_wait3A_24 = tpu.memref_slice %arg2[%dma_wait3A, %dma_wait3A_23] : memref<10240x128xf32, #tpu.memory_space<hbm>> -> memref<10240x128xf32, #tpu.memory_space<hbm>>
      tpu.wait_indirect_dma semaphore(%arg11 : memref<!tpu.dma_semaphore, #tpu.memory_space<semaphore_mem>>) src(%dma_wait3A_24 : memref<10240x128xf32, #tpu.memory_space<hbm>>) dst(%arg9 : memref<80x128xf32, #tpu.memory_space<vmem>>)
      "tpu.region"() ({
        %run_scoped3A = tpu.sem_alloc : memref<!tpu.dma_semaphore, #tpu.memory_space<semaphore_mem>>
        %dma_start3A_25 = arith.constant 0 : i32
        %dma_start3A_26 = arith.constant 0 : i32
        %dma_start3A_27 = tpu.memref_slice %arg10[%dma_start3A_25, %dma_start3A_26] : memref<10240x128xf32, #tpu.memory_space<vmem_shared>> -> memref<10240x128xf32, #tpu.memory_space<vmem_shared>>
        tpu.enqueue_indirect_dma source(%arg9 : memref<80x128xf32, #tpu.memory_space<vmem>>) target(%dma_start3A_27 : memref<10240x128xf32, #tpu.memory_space<vmem_shared>>) offsets(%arg8 : memref<80xi32, #tpu.memory_space<vmem>>) semaphore(%run_scoped3A : memref<!tpu.dma_semaphore, #tpu.memory_space<semaphore_mem>>) {add = true}
        %dma_wait3A_28 = arith.constant 0 : i32
        %dma_wait3A_29 = arith.constant 0 : i32
        %dma_wait3A_30 = tpu.memref_slice %arg10[%dma_wait3A_28, %dma_wait3A_29] : memref<10240x128xf32, #tpu.memory_space<vmem_shared>> -> memref<10240x128xf32, #tpu.memory_space<vmem_shared>>
        tpu.wait_indirect_dma semaphore(%run_scoped3A : memref<!tpu.dma_semaphore, #tpu.memory_space<semaphore_mem>>) src(%arg9 : memref<80x128xf32, #tpu.memory_space<vmem>>) dst(%dma_wait3A_30 : memref<10240x128xf32, #tpu.memory_space<vmem_shared>>)
        tpu.yield
      }) : () -> ()
    }
    %scan3A_15 = arith.constant 125 : i32
    %barrier3A_16 = arith.constant 0 : index
    tpu.barrier barrier_id(%barrier3A_16)
    "tpu.region"() ({
      %run_scoped3A = tpu.sem_alloc : memref<!tpu.dma_semaphore, #tpu.memory_space<semaphore_mem>>
      %dma_start3A = arith.constant 0 : i32
      %dma_start3A_17 = arith.constant 0 : i32
      %dma_start3A_18 = tpu.memref_slice %arg6[%arg0, %dma_start3A, %dma_start3A_17] : memref<2x10240x128xf32, #tpu.memory_space<hbm>> -> memref<1x10240x128xf32, #tpu.memory_space<hbm>>
      %dma_start3A_19 = tpu.memref_squeeze %dma_start3A_18 : memref<1x10240x128xf32, #tpu.memory_space<hbm>> -> memref<10240x128xf32, #tpu.memory_space<hbm>>
      %dma_start3A_20 = arith.constant 0 : i32
      %dma_start3A_21 = tpu.memref_slice %dma_start3A_19[%mul3A_2, %dma_start3A_20] : memref<10240x128xf32, #tpu.memory_space<hbm>> -> memref<640x128xf32, #tpu.memory_space<hbm>>
      %dma_start3A_22 = arith.constant 0 : i32
      %dma_start3A_23 = tpu.memref_slice %arg10[%mul3A_2, %dma_start3A_22] : memref<10240x128xf32, #tpu.memory_space<vmem_shared>> -> memref<640x128xf32, #tpu.memory_space<vmem_shared>>
      tpu.enqueue_dma source(%dma_start3A_23 : memref<640x128xf32, #tpu.memory_space<vmem_shared>>) target(%dma_start3A_21 : memref<640x128xf32, #tpu.memory_space<hbm>>) target_semaphore(%run_scoped3A : memref<!tpu.dma_semaphore, #tpu.memory_space<semaphore_mem>>)
      %dma_wait3A = arith.constant 0 : i32
      %dma_wait3A_24 = arith.constant 0 : i32
      %dma_wait3A_25 = tpu.memref_slice %arg6[%arg0, %dma_wait3A, %dma_wait3A_24] : memref<2x10240x128xf32, #tpu.memory_space<hbm>> -> memref<1x10240x128xf32, #tpu.memory_space<hbm>>
      %dma_wait3A_26 = tpu.memref_squeeze %dma_wait3A_25 : memref<1x10240x128xf32, #tpu.memory_space<hbm>> -> memref<10240x128xf32, #tpu.memory_space<hbm>>
      %dma_wait3A_27 = arith.constant 0 : i32
      %dma_wait3A_28 = tpu.memref_slice %dma_wait3A_26[%mul3A_2, %dma_wait3A_27] : memref<10240x128xf32, #tpu.memory_space<hbm>> -> memref<640x128xf32, #tpu.memory_space<hbm>>
      %dma_wait3A_29 = arith.constant 0 : i32
      %dma_wait3A_30 = tpu.memref_slice %arg10[%mul3A_2, %dma_wait3A_29] : memref<10240x128xf32, #tpu.memory_space<vmem_shared>> -> memref<640x128xf32, #tpu.memory_space<vmem_shared>>
      tpu.wait_dma2 semaphore(%run_scoped3A : memref<!tpu.dma_semaphore, #tpu.memory_space<semaphore_mem>>) src(%dma_wait3A_30 : memref<640x128xf32, #tpu.memory_space<vmem_shared>>) dst(%dma_wait3A_28 : memref<640x128xf32, #tpu.memory_space<hbm>>)
      tpu.yield
    }) : () -> ()
    return
  }
}

#map = affine_map<(d0, d1) -> (0, 0)>
#map1 = affine_map<(d0, d1) -> (0)>
#map2 = affine_map<(d0, d1) -> (0, 0, 0)>
module attributes {stable_mosaic.version = 14 : i64} {
  func.func @agg(%arg0: i32, %arg1: i32, %arg2: memref<10240x128xf32, #tpu.memory_space<hbm>>, %arg3: memref<320000xi32, #tpu.memory_space<hbm>>, %arg4: memref<320000xi32, #tpu.memory_space<hbm>>, %arg5: memref<10240x128xf32, #tpu.memory_space<hbm>>, %arg6: memref<2x10240x128xf32, #tpu.memory_space<hbm>>, %arg7: memref<80xi32, #tpu.memory_space<vmem>>, %arg8: memref<80xi32, #tpu.memory_space<vmem>>, %arg9: memref<80x128xf32, #tpu.memory_space<vmem>>, %arg10: memref<10240x128xf32, #tpu.memory_space<vmem_shared>>, %arg11: memref<!tpu.dma_semaphore, #tpu.memory_space<semaphore_mem>>) attributes {dimension_semantics = [#tpu.dimension_semantics<core_parallel>, #tpu.dimension_semantics<subcore_parallel>], iteration_bounds = array<i64: 2, 16>, scalar_prefetch = 0 : i64, scratch_operands = 5 : i64, tpu.core_type = #tpu.core_type<sc_vector_subcore>, window_params = [{transform_indices = #map}, {transform_indices = #map1}, {transform_indices = #map1}, {transform_indices = #map}, {transform_indices = #map2}]} {
    %mul3A = arith.constant 2 : i32
    %mul3A_0 = arith.muli %arg1, %mul3A : i32
    %add3A = arith.addi %mul3A_0, %arg0 : i32
    %mul3A_1 = arith.constant 640 : i32
    %mul3A_2 = arith.muli %arg1, %mul3A_1 : i32
    %eq3A = arith.constant 0 : i32
    %eq3A_3 = arith.cmpi eq, %arg0, %eq3A : i32
    %convert_element_type3A = arith.extui %eq3A_3 : i1 to i32
    %cond3A = arith.constant 0 : i32
    %cond3A_4 = arith.cmpi ne, %convert_element_type3A, %cond3A : i32
    scf.if %cond3A_4 {
      "tpu.region"() ({
        %run_scoped3A = tpu.sem_alloc : memref<!tpu.dma_semaphore, #tpu.memory_space<semaphore_mem>>
        %dma_start3A = arith.constant 0 : i32
        %dma_start3A_17 = tpu.memref_slice %arg10[%mul3A_2, %dma_start3A] : memref<10240x128xf32, #tpu.memory_space<vmem_shared>> -> memref<640x128xf32, #tpu.memory_space<vmem_shared>>
        %dma_start3A_18 = arith.constant 0 : i32
        %dma_start3A_19 = tpu.memref_slice %arg2[%mul3A_2, %dma_start3A_18] : memref<10240x128xf32, #tpu.memory_space<hbm>> -> memref<640x128xf32, #tpu.memory_space<hbm>>
        tpu.enqueue_dma source(%dma_start3A_19 : memref<640x128xf32, #tpu.memory_space<hbm>>) target(%dma_start3A_17 : memref<640x128xf32, #tpu.memory_space<vmem_shared>>) target_semaphore(%run_scoped3A : memref<!tpu.dma_semaphore, #tpu.memory_space<semaphore_mem>>)
        %dma_wait3A = arith.constant 0 : i32
        %dma_wait3A_20 = tpu.memref_slice %arg10[%mul3A_2, %dma_wait3A] : memref<10240x128xf32, #tpu.memory_space<vmem_shared>> -> memref<640x128xf32, #tpu.memory_space<vmem_shared>>
        %dma_wait3A_21 = arith.constant 0 : i32
        %dma_wait3A_22 = tpu.memref_slice %arg2[%mul3A_2, %dma_wait3A_21] : memref<10240x128xf32, #tpu.memory_space<hbm>> -> memref<640x128xf32, #tpu.memory_space<hbm>>
        tpu.wait_dma2 semaphore(%run_scoped3A : memref<!tpu.dma_semaphore, #tpu.memory_space<semaphore_mem>>) src(%dma_wait3A_22 : memref<640x128xf32, #tpu.memory_space<hbm>>) dst(%dma_wait3A_20 : memref<640x128xf32, #tpu.memory_space<vmem_shared>>)
        tpu.yield
      }) : () -> ()
    } else {
    }
    %ne3A = arith.constant 0 : i32
    %ne3A_5 = arith.cmpi ne, %arg0, %ne3A : i32
    %convert_element_type3A_6 = arith.extui %ne3A_5 : i1 to i32
    %cond3A_7 = arith.constant 0 : i32
    %cond3A_8 = arith.cmpi ne, %convert_element_type3A_6, %cond3A_7 : i32
    scf.if %cond3A_8 {
      "tpu.region"() ({
        %run_scoped3A = tpu.sem_alloc : memref<!tpu.dma_semaphore, #tpu.memory_space<semaphore_mem>>
        %dma_start3A = arith.constant 0 : i32
        %dma_start3A_17 = tpu.memref_slice %arg10[%mul3A_2, %dma_start3A] : memref<10240x128xf32, #tpu.memory_space<vmem_shared>> -> memref<640x128xf32, #tpu.memory_space<vmem_shared>>
        %dma_start3A_18 = arith.constant 0 : i32
        %dma_start3A_19 = tpu.memref_slice %arg5[%mul3A_2, %dma_start3A_18] : memref<10240x128xf32, #tpu.memory_space<hbm>> -> memref<640x128xf32, #tpu.memory_space<hbm>>
        tpu.enqueue_dma source(%dma_start3A_19 : memref<640x128xf32, #tpu.memory_space<hbm>>) target(%dma_start3A_17 : memref<640x128xf32, #tpu.memory_space<vmem_shared>>) target_semaphore(%run_scoped3A : memref<!tpu.dma_semaphore, #tpu.memory_space<semaphore_mem>>)
        %dma_wait3A = arith.constant 0 : i32
        %dma_wait3A_20 = tpu.memref_slice %arg10[%mul3A_2, %dma_wait3A] : memref<10240x128xf32, #tpu.memory_space<vmem_shared>> -> memref<640x128xf32, #tpu.memory_space<vmem_shared>>
        %dma_wait3A_21 = arith.constant 0 : i32
        %dma_wait3A_22 = tpu.memref_slice %arg5[%mul3A_2, %dma_wait3A_21] : memref<10240x128xf32, #tpu.memory_space<hbm>> -> memref<640x128xf32, #tpu.memory_space<hbm>>
        tpu.wait_dma2 semaphore(%run_scoped3A : memref<!tpu.dma_semaphore, #tpu.memory_space<semaphore_mem>>) src(%dma_wait3A_22 : memref<640x128xf32, #tpu.memory_space<hbm>>) dst(%dma_wait3A_20 : memref<640x128xf32, #tpu.memory_space<vmem_shared>>)
        tpu.yield
      }) : () -> ()
    } else {
    }
    %barrier3A = arith.constant 0 : index
    tpu.barrier barrier_id(%barrier3A)
    %mul3A_9 = arith.constant 10000 : i32
    %mul3A_10 = arith.muli %add3A, %mul3A_9 : i32
    %scan3A = arith.constant 0 : i32
    %scan3A_11 = arith.constant 0 : i32
    %scan3A_12 = arith.constant 125 : i32
    %scan3A_13 = arith.addi %scan3A_11, %scan3A_12 : i32
    %scan3A_14 = arith.constant 1 : i32
    scf.for %scan3A_17 = %scan3A_11 to %scan3A_13 step %scan3A_14  : i32 {
      %mul3A_18 = arith.constant 80 : i32
      %mul3A_19 = arith.muli %scan3A_17, %mul3A_18 : i32
      %add3A_20 = arith.addi %mul3A_10, %mul3A_19 : i32
      "tpu.region"() ({
        %run_scoped3A = tpu.sem_alloc : memref<!tpu.dma_semaphore, #tpu.memory_space<semaphore_mem>>
        %dma_start3A_25 = tpu.memref_slice %arg3[%add3A_20] : memref<320000xi32, #tpu.memory_space<hbm>> -> memref<80xi32, #tpu.memory_space<hbm>>
        %dma_start3A_26 = tpu.memref_slice %arg3[%add3A_20] : memref<320000xi32, #tpu.memory_space<hbm>> -> memref<80xi32, #tpu.memory_space<hbm>>
        tpu.enqueue_dma source(%dma_start3A_26 : memref<80xi32, #tpu.memory_space<hbm>>) target(%arg7 : memref<80xi32, #tpu.memory_space<vmem>>) target_semaphore(%run_scoped3A : memref<!tpu.dma_semaphore, #tpu.memory_space<semaphore_mem>>)
        %dma_wait3A_27 = tpu.memref_slice %arg3[%add3A_20] : memref<320000xi32, #tpu.memory_space<hbm>> -> memref<80xi32, #tpu.memory_space<hbm>>
        %dma_wait3A_28 = tpu.memref_slice %arg3[%add3A_20] : memref<320000xi32, #tpu.memory_space<hbm>> -> memref<80xi32, #tpu.memory_space<hbm>>
        tpu.wait_dma2 semaphore(%run_scoped3A : memref<!tpu.dma_semaphore, #tpu.memory_space<semaphore_mem>>) src(%dma_wait3A_28 : memref<80xi32, #tpu.memory_space<hbm>>) dst(%arg7 : memref<80xi32, #tpu.memory_space<vmem>>)
        tpu.yield
      }) : () -> ()
      "tpu.region"() ({
        %run_scoped3A = tpu.sem_alloc : memref<!tpu.dma_semaphore, #tpu.memory_space<semaphore_mem>>
        %dma_start3A_25 = tpu.memref_slice %arg4[%add3A_20] : memref<320000xi32, #tpu.memory_space<hbm>> -> memref<80xi32, #tpu.memory_space<hbm>>
        %dma_start3A_26 = tpu.memref_slice %arg4[%add3A_20] : memref<320000xi32, #tpu.memory_space<hbm>> -> memref<80xi32, #tpu.memory_space<hbm>>
        tpu.enqueue_dma source(%dma_start3A_26 : memref<80xi32, #tpu.memory_space<hbm>>) target(%arg8 : memref<80xi32, #tpu.memory_space<vmem>>) target_semaphore(%run_scoped3A : memref<!tpu.dma_semaphore, #tpu.memory_space<semaphore_mem>>)
        %dma_wait3A_27 = tpu.memref_slice %arg4[%add3A_20] : memref<320000xi32, #tpu.memory_space<hbm>> -> memref<80xi32, #tpu.memory_space<hbm>>
        %dma_wait3A_28 = tpu.memref_slice %arg4[%add3A_20] : memref<320000xi32, #tpu.memory_space<hbm>> -> memref<80xi32, #tpu.memory_space<hbm>>
        tpu.wait_dma2 semaphore(%run_scoped3A : memref<!tpu.dma_semaphore, #tpu.memory_space<semaphore_mem>>) src(%dma_wait3A_28 : memref<80xi32, #tpu.memory_space<hbm>>) dst(%arg8 : memref<80xi32, #tpu.memory_space<vmem>>)
        tpu.yield
      }) : () -> ()
      %dma_start3A = arith.constant 0 : i32
      %dma_start3A_21 = arith.constant 0 : i32
      %dma_start3A_22 = tpu.memref_slice %arg2[%dma_start3A, %dma_start3A_21] : memref<10240x128xf32, #tpu.memory_space<hbm>> -> memref<10240x128xf32, #tpu.memory_space<hbm>>
      tpu.enqueue_indirect_dma source(%dma_start3A_22 : memref<10240x128xf32, #tpu.memory_space<hbm>>) target(%arg9 : memref<80x128xf32, #tpu.memory_space<vmem>>) offsets(%arg7 : memref<80xi32, #tpu.memory_space<vmem>>) semaphore(%arg11 : memref<!tpu.dma_semaphore, #tpu.memory_space<semaphore_mem>>)
      %dma_wait3A = arith.constant 0 : i32
      %dma_wait3A_23 = arith.constant 0 : i32
      %dma_wait3A_24 = tpu.memref_slice %arg2[%dma_wait3A, %dma_wait3A_23] : memref<10240x128xf32, #tpu.memory_space<hbm>> -> memref<10240x128xf32, #tpu.memory_space<hbm>>
      tpu.wait_indirect_dma semaphore(%arg11 : memref<!tpu.dma_semaphore, #tpu.memory_space<semaphore_mem>>) src(%dma_wait3A_24 : memref<10240x128xf32, #tpu.memory_space<hbm>>) dst(%arg9 : memref<80x128xf32, #tpu.memory_space<vmem>>)
      "tpu.region"() ({
        %run_scoped3A = tpu.sem_alloc : memref<!tpu.dma_semaphore, #tpu.memory_space<semaphore_mem>>
        %dma_start3A_25 = arith.constant 0 : i32
        %dma_start3A_26 = arith.constant 0 : i32
        %dma_start3A_27 = tpu.memref_slice %arg10[%dma_start3A_25, %dma_start3A_26] : memref<10240x128xf32, #tpu.memory_space<vmem_shared>> -> memref<10240x128xf32, #tpu.memory_space<vmem_shared>>
        tpu.enqueue_indirect_dma source(%arg9 : memref<80x128xf32, #tpu.memory_space<vmem>>) target(%dma_start3A_27 : memref<10240x128xf32, #tpu.memory_space<vmem_shared>>) offsets(%arg8 : memref<80xi32, #tpu.memory_space<vmem>>) semaphore(%run_scoped3A : memref<!tpu.dma_semaphore, #tpu.memory_space<semaphore_mem>>) {add = true}
        %dma_wait3A_28 = arith.constant 0 : i32
        %dma_wait3A_29 = arith.constant 0 : i32
        %dma_wait3A_30 = tpu.memref_slice %arg10[%dma_wait3A_28, %dma_wait3A_29] : memref<10240x128xf32, #tpu.memory_space<vmem_shared>> -> memref<10240x128xf32, #tpu.memory_space<vmem_shared>>
        tpu.wait_indirect_dma semaphore(%run_scoped3A : memref<!tpu.dma_semaphore, #tpu.memory_space<semaphore_mem>>) src(%arg9 : memref<80x128xf32, #tpu.memory_space<vmem>>) dst(%dma_wait3A_30 : memref<10240x128xf32, #tpu.memory_space<vmem_shared>>)
        tpu.yield
      }) : () -> ()
    }
    %scan3A_15 = arith.constant 125 : i32
    %barrier3A_16 = arith.constant 0 : index
    tpu.barrier barrier_id(%barrier3A_16)
    "tpu.region"() ({
      %run_scoped3A = tpu.sem_alloc : memref<!tpu.dma_semaphore, #tpu.memory_space<semaphore_mem>>
      %dma_start3A = arith.constant 0 : i32
      %dma_start3A_17 = arith.constant 0 : i32
      %dma_start3A_18 = tpu.memref_slice %arg6[%arg0, %dma_start3A, %dma_start3A_17] : memref<2x10240x128xf32, #tpu.memory_space<hbm>> -> memref<1x10240x128xf32, #tpu.memory_space<hbm>>
      %dma_start3A_19 = tpu.memref_squeeze %dma_start3A_18 : memref<1x10240x128xf32, #tpu.memory_space<hbm>> -> memref<10240x128xf32, #tpu.memory_space<hbm>>
      %dma_start3A_20 = arith.constant 0 : i32
      %dma_start3A_21 = tpu.memref_slice %dma_start3A_19[%mul3A_2, %dma_start3A_20] : memref<10240x128xf32, #tpu.memory_space<hbm>> -> memref<640x128xf32, #tpu.memory_space<hbm>>
      %dma_start3A_22 = arith.constant 0 : i32
      %dma_start3A_23 = tpu.memref_slice %arg10[%mul3A_2, %dma_start3A_22] : memref<10240x128xf32, #tpu.memory_space<vmem_shared>> -> memref<640x128xf32, #tpu.memory_space<vmem_shared>>
      tpu.enqueue_dma source(%dma_start3A_23 : memref<640x128xf32, #tpu.memory_space<vmem_shared>>) target(%dma_start3A_21 : memref<640x128xf32, #tpu.memory_space<hbm>>) target_semaphore(%run_scoped3A : memref<!tpu.dma_semaphore, #tpu.memory_space<semaphore_mem>>)
      %dma_wait3A = arith.constant 0 : i32
      %dma_wait3A_24 = arith.constant 0 : i32
      %dma_wait3A_25 = tpu.memref_slice %arg6[%arg0, %dma_wait3A, %dma_wait3A_24] : memref<2x10240x128xf32, #tpu.memory_space<hbm>> -> memref<1x10240x128xf32, #tpu.memory_space<hbm>>
      %dma_wait3A_26 = tpu.memref_squeeze %dma_wait3A_25 : memref<1x10240x128xf32, #tpu.memory_space<hbm>> -> memref<10240x128xf32, #tpu.memory_space<hbm>>
      %dma_wait3A_27 = arith.constant 0 : i32
      %dma_wait3A_28 = tpu.memref_slice %dma_wait3A_26[%mul3A_2, %dma_wait3A_27] : memref<10240x128xf32, #tpu.memory_space<hbm>> -> memref<640x128xf32, #tpu.memory_space<hbm>>
      %dma_wait3A_29 = arith.constant 0 : i32
      %dma_wait3A_30 = tpu.memref_slice %arg10[%mul3A_2, %dma_wait3A_29] : memref<10240x128xf32, #tpu.memory_space<vmem_shared>> -> memref<640x128xf32, #tpu.memory_space<vmem_shared>>
      tpu.wait_dma2 semaphore(%run_scoped3A : memref<!tpu.dma_semaphore, #tpu.memory_space<semaphore_mem>>) src(%dma_wait3A_30 : memref<640x128xf32, #tpu.memory_space<vmem_shared>>) dst(%dma_wait3A_28 : memref<640x128xf32, #tpu.memory_space<hbm>>)
      tpu.yield
    }) : () -> ()
    return
  }
}

module attributes {stable_mosaic.version = 14 : i64} {
  func.func @body(%arg0: i32, %arg1: memref<1000x128xf32, #tpu.memory_space<vmem>>, %arg2: memref<128x128xf32, #tpu.memory_space<vmem>>, %arg3: memref<1x128xf32, #tpu.memory_space<vmem>>, %arg4: memref<1000x128xf32, #tpu.memory_space<vmem>>) attributes {dimension_semantics = [#tpu.dimension_semantics<arbitrary>], iteration_bounds = array<i64: 10>, scalar_prefetch = 0 : i64, scratch_operands = 0 : i64, tpu.core_type = #tpu.core_type<tc>, window_params = [{transform_indices = @transform_0, window_bounds = array<i64: 1000, 128>}, {pipeline_mode = #tpu.pipeline_mode<synchronous>, transform_indices = @transform_1, window_bounds = array<i64: 128, 128>}, {pipeline_mode = #tpu.pipeline_mode<synchronous>, transform_indices = @transform_2, window_bounds = array<i64: 1, 128>}, {transform_indices = @transform_3, window_bounds = array<i64: 1000, 128>}]} {
    %get3A = arith.constant 0 : index
    %get3A_0 = arith.constant 0 : index
    %get3A_1 = vector.load %arg1[%get3A, %get3A_0] : memref<1000x128xf32, #tpu.memory_space<vmem>>, vector<1000x128xf32>
    %get3A_2 = arith.constant 0 : index
    %get3A_3 = arith.constant 0 : index
    %get3A_4 = vector.load %arg2[%get3A_2, %get3A_3] : memref<128x128xf32, #tpu.memory_space<vmem>>, vector<128x128xf32>
    %dot_general3A = arith.constant dense<0.000000e+00> : vector<1000x128xf32>
    %dot_general3A_5 = tpu.matmul %get3A_1, %get3A_4, %dot_general3A {dimension_numbers = #tpu.dot_dimension_numbers<[1], [0], [0], [1], [0, 0, 1, 1], [], []>, transpose_lhs_hint = false} : vector<1000x128xf32>, vector<128x128xf32>, vector<1000x128xf32> -> vector<1000x128xf32>
    %get3A_6 = arith.constant 0 : index
    %get3A_7 = arith.constant 0 : index
    %get3A_8 = vector.load %arg3[%get3A_6, %get3A_7] : memref<1x128xf32, #tpu.memory_space<vmem>>, vector<1x128xf32>
    %add3A = vector.broadcast %get3A_8 : vector<1x128xf32> to vector<1000x128xf32>
    %add3A_9 = arith.addf %dot_general3A_5, %add3A : vector<1000x128xf32>
    %max3A = arith.constant 0.000000e+00 : f32
    %max3A_10 = vector.broadcast %max3A : f32 to vector<1000x128xf32>
    %max3A_11 = arith.maximumf %add3A_9, %max3A_10 : vector<1000x128xf32>
    %swap3A = arith.constant 0 : index
    %swap3A_12 = arith.constant 0 : index
    %swap3A_13 = vector.load %arg4[%swap3A, %swap3A_12] : memref<1000x128xf32, #tpu.memory_space<vmem>>, vector<1000x128xf32>
    tpu.vector_store %arg4[%swap3A, %swap3A_12], %max3A_11 {strides = array<i32>} : memref<1000x128xf32, #tpu.memory_space<vmem>>, vector<1000x128xf32>,
    return
  }
  func.func @transform_0(%arg0: i32) -> (i32, i32) {
    %c0_i32 = arith.constant 0 : i32
    %c0_i32_0 = arith.constant 0 : i32
    return %arg0, %c0_i32 : i32, i32
  }
  func.func @transform_1(%arg0: i32) -> (i32, i32) {
    %c0_i32 = arith.constant 0 : i32
    %c0_i32_0 = arith.constant 0 : i32
    %c0_i32_1 = arith.constant 0 : i32
    return %c0_i32, %c0_i32_0 : i32, i32
  }
  func.func @transform_2(%arg0: i32) -> (i32, i32) {
    %c0_i32 = arith.constant 0 : i32
    %c0_i32_0 = arith.constant 0 : i32
    %c0_i32_1 = arith.constant 0 : i32
    return %c0_i32, %c0_i32_0 : i32, i32
  }
  func.func @transform_3(%arg0: i32) -> (i32, i32) {
    %c0_i32 = arith.constant 0 : i32
    %c0_i32_0 = arith.constant 0 : i32
    return %arg0, %c0_i32 : i32, i32
  }
}

module attributes {stable_mosaic.version = 14 : i64} {
  func.func @body(%arg0: i32, %arg1: memref<1x1000x128xf32, #tpu.memory_space<vmem>>, %arg2: memref<1x1000x128xf32, #tpu.memory_space<vmem>>, %arg3: memref<128x256xf32, #tpu.memory_space<vmem>>, %arg4: memref<1x256xf32, #tpu.memory_space<vmem>>, %arg5: memref<256x128xf32, #tpu.memory_space<vmem>>, %arg6: memref<1x128xf32, #tpu.memory_space<vmem>>, %arg7: memref<1000x128xf32, #tpu.memory_space<vmem>>, %arg8: memref<1x128xf32, #tpu.memory_space<vmem>>, %arg9: memref<1x128xf32, #tpu.memory_space<vmem>>, %arg10: memref<1x128xf32, #tpu.memory_space<vmem>>) attributes {dimension_semantics = [#tpu.dimension_semantics<arbitrary>], iteration_bounds = array<i64: 10>, scalar_prefetch = 0 : i64, scratch_operands = 0 : i64, tpu.core_type = #tpu.core_type<tc>, window_params = [{transform_indices = @transform_0, window_bounds = array<i64: 1, 1000, 128>}, {transform_indices = @transform_1, window_bounds = array<i64: 1, 1000, 128>}, {pipeline_mode = #tpu.pipeline_mode<synchronous>, transform_indices = @transform_2, window_bounds = array<i64: 128, 256>}, {pipeline_mode = #tpu.pipeline_mode<synchronous>, transform_indices = @transform_3, window_bounds = array<i64: 1, 256>}, {pipeline_mode = #tpu.pipeline_mode<synchronous>, transform_indices = @transform_4, window_bounds = array<i64: 256, 128>}, {pipeline_mode = #tpu.pipeline_mode<synchronous>, transform_indices = @transform_5, window_bounds = array<i64: 1, 128>}, {transform_indices = @transform_6, window_bounds = array<i64: 1000, 128>}, {pipeline_mode = #tpu.pipeline_mode<synchronous>, transform_indices = @transform_7, window_bounds = array<i64: 1, 128>}, {pipeline_mode = #tpu.pipeline_mode<synchronous>, transform_indices = @transform_8, window_bounds = array<i64: 1, 128>}, {pipeline_mode = #tpu.pipeline_mode<synchronous>, transform_indices = @transform_9, window_bounds = array<i64: 1, 128>}]} {
    %get3A = arith.constant 0 : index
    %get3A_0 = arith.constant 0 : index
    %get3A_1 = arith.constant 0 : index
    %get3A_2 = vector.load %arg1[%get3A, %get3A_0, %get3A_1] : memref<1x1000x128xf32, #tpu.memory_space<vmem>>, vector<1x1000x128xf32>
    %get3A_3 = vector.shape_cast %get3A_2 : vector<1x1000x128xf32> to vector<1000x128xf32>
    %get3A_4 = arith.constant 0 : index
    %get3A_5 = arith.constant 0 : index
    %get3A_6 = arith.constant 0 : index
    %get3A_7 = vector.load %arg2[%get3A_4, %get3A_5, %get3A_6] : memref<1x1000x128xf32, #tpu.memory_space<vmem>>, vector<1x1000x128xf32>
    %get3A_8 = vector.shape_cast %get3A_7 : vector<1x1000x128xf32> to vector<1000x128xf32>
    %add3A = arith.addf %get3A_3, %get3A_8 : vector<1000x128xf32>
    %get3A_9 = arith.constant 0 : index
    %get3A_10 = arith.constant 0 : index
    %get3A_11 = vector.load %arg3[%get3A_9, %get3A_10] : memref<128x256xf32, #tpu.memory_space<vmem>>, vector<128x256xf32>
    %dot_general3A = arith.constant dense<0.000000e+00> : vector<1000x256xf32>
    %dot_general3A_12 = tpu.matmul %add3A, %get3A_11, %dot_general3A {dimension_numbers = #tpu.dot_dimension_numbers<[1], [0], [0], [1], [0, 0, 1, 1], [], []>, transpose_lhs_hint = false} : vector<1000x128xf32>, vector<128x256xf32>, vector<1000x256xf32> -> vector<1000x256xf32>
    %get3A_13 = arith.constant 0 : index
    %get3A_14 = arith.constant 0 : index
    %get3A_15 = vector.load %arg4[%get3A_13, %get3A_14] : memref<1x256xf32, #tpu.memory_space<vmem>>, vector<1x256xf32>
    %add3A_16 = vector.broadcast %get3A_15 : vector<1x256xf32> to vector<1000x256xf32>
    %add3A_17 = arith.addf %dot_general3A_12, %add3A_16 : vector<1000x256xf32>
    %max3A = arith.constant 0.000000e+00 : f32
    %max3A_18 = vector.broadcast %max3A : f32 to vector<1000x256xf32>
    %max3A_19 = arith.maximumf %add3A_17, %max3A_18 : vector<1000x256xf32>
    %get3A_20 = arith.constant 0 : index
    %get3A_21 = arith.constant 0 : index
    %get3A_22 = vector.load %arg5[%get3A_20, %get3A_21] : memref<256x128xf32, #tpu.memory_space<vmem>>, vector<256x128xf32>
    %dot_general3A_23 = arith.constant dense<0.000000e+00> : vector<1000x128xf32>
    %dot_general3A_24 = tpu.matmul %max3A_19, %get3A_22, %dot_general3A_23 {dimension_numbers = #tpu.dot_dimension_numbers<[1], [0], [0], [1], [0, 0, 1, 1], [], []>, transpose_lhs_hint = false} : vector<1000x256xf32>, vector<256x128xf32>, vector<1000x128xf32> -> vector<1000x128xf32>
    %get3A_25 = arith.constant 0 : index
    %get3A_26 = arith.constant 0 : index
    %get3A_27 = vector.load %arg6[%get3A_25, %get3A_26] : memref<1x128xf32, #tpu.memory_space<vmem>>, vector<1x128xf32>
    %add3A_28 = vector.broadcast %get3A_27 : vector<1x128xf32> to vector<1000x128xf32>
    %add3A_29 = arith.addf %dot_general3A_24, %add3A_28 : vector<1000x128xf32>
    %swap3A = arith.constant 0 : index
    %swap3A_30 = arith.constant 0 : index
    %swap3A_31 = vector.load %arg7[%swap3A, %swap3A_30] : memref<1000x128xf32, #tpu.memory_space<vmem>>, vector<1000x128xf32>
    tpu.vector_store %arg7[%swap3A, %swap3A_30], %add3A_29 {strides = array<i32>} : memref<1000x128xf32, #tpu.memory_space<vmem>>, vector<1000x128xf32>,
    %eq3A = arith.constant 0 : i32
    %eq3A_32 = arith.cmpi eq, %arg0, %eq3A : i32
    %convert_element_type3A = arith.extui %eq3A_32 : i1 to i32
    %cond3A = arith.constant 0 : i32
    %cond3A_33 = arith.cmpi ne, %convert_element_type3A, %cond3A : i32
    scf.if %cond3A_33 {
      %slice3A = vector.extract_strided_slice %add3A_29 {offsets = [0, 0], sizes = [1, 128], strides = [1, 1]} : vector<1000x128xf32> to vector<1x128xf32>
      %swap3A_56 = arith.constant 0 : index
      %swap3A_57 = arith.constant 0 : index
      %swap3A_58 = vector.load %arg10[%swap3A_56, %swap3A_57] : memref<1x128xf32, #tpu.memory_space<vmem>>, vector<1x128xf32>
      tpu.vector_store %arg10[%swap3A_56, %swap3A_57], %slice3A {strides = array<i32>} : memref<1x128xf32, #tpu.memory_space<vmem>>, vector<1x128xf32>,
      %broadcast_in_dim3A_59 = arith.constant 0.000000e+00 : f32
      %broadcast_in_dim3A_60 = vector.broadcast %broadcast_in_dim3A_59 : f32 to vector<1x128xf32>
      %swap3A_61 = arith.constant 0 : index
      %swap3A_62 = arith.constant 0 : index
      %swap3A_63 = vector.load %arg8[%swap3A_61, %swap3A_62] : memref<1x128xf32, #tpu.memory_space<vmem>>, vector<1x128xf32>
      tpu.vector_store %arg8[%swap3A_61, %swap3A_62], %broadcast_in_dim3A_60 {strides = array<i32>} : memref<1x128xf32, #tpu.memory_space<vmem>>, vector<1x128xf32>,
      %broadcast_in_dim3A_64 = arith.constant 0.000000e+00 : f32
      %broadcast_in_dim3A_65 = vector.broadcast %broadcast_in_dim3A_64 : f32 to vector<1x128xf32>
      %swap3A_66 = arith.constant 0 : index
      %swap3A_67 = arith.constant 0 : index
      %swap3A_68 = vector.load %arg9[%swap3A_66, %swap3A_67] : memref<1x128xf32, #tpu.memory_space<vmem>>, vector<1x128xf32>
      tpu.vector_store %arg9[%swap3A_66, %swap3A_67], %broadcast_in_dim3A_65 {strides = array<i32>} : memref<1x128xf32, #tpu.memory_space<vmem>>, vector<1x128xf32>,
    } else {
    }
    %get3A_34 = arith.constant 0 : index
    %get3A_35 = arith.constant 0 : index
    %get3A_36 = vector.load %arg10[%get3A_34, %get3A_35] : memref<1x128xf32, #tpu.memory_space<vmem>>, vector<1x128xf32>
    %sub3A = vector.broadcast %get3A_36 : vector<1x128xf32> to vector<1000x128xf32>
    %sub3A_37 = arith.subf %add3A_29, %sub3A : vector<1000x128xf32>
    %get3A_38 = arith.constant 0 : index
    %get3A_39 = arith.constant 0 : index
    %get3A_40 = vector.load %arg8[%get3A_38, %get3A_39] : memref<1x128xf32, #tpu.memory_space<vmem>>, vector<1x128xf32>
    %reduce_sum3A = arith.constant dense<0.000000e+00> : vector<128xf32>
    %reduce_sum3A_41 = vector.multi_reduction <add>, %sub3A_37, %reduce_sum3A [0] : vector<1000x128xf32> to vector<128xf32>
    %broadcast_in_dim3A = vector.shape_cast %reduce_sum3A_41 : vector<128xf32> to vector<1x128xf32>
    %add3A_42 = arith.addf %get3A_40, %broadcast_in_dim3A : vector<1x128xf32>
    %swap3A_43 = arith.constant 0 : index
    %swap3A_44 = arith.constant 0 : index
    %swap3A_45 = vector.load %arg8[%swap3A_43, %swap3A_44] : memref<1x128xf32, #tpu.memory_space<vmem>>, vector<1x128xf32>
    tpu.vector_store %arg8[%swap3A_43, %swap3A_44], %add3A_42 {strides = array<i32>} : memref<1x128xf32, #tpu.memory_space<vmem>>, vector<1x128xf32>,
    %get3A_46 = arith.constant 0 : index
    %get3A_47 = arith.constant 0 : index
    %get3A_48 = vector.load %arg9[%get3A_46, %get3A_47] : memref<1x128xf32, #tpu.memory_space<vmem>>, vector<1x128xf32>
    %mul3A = arith.mulf %sub3A_37, %sub3A_37 : vector<1000x128xf32>
    %reduce_sum3A_49 = arith.constant dense<0.000000e+00> : vector<128xf32>
    %reduce_sum3A_50 = vector.multi_reduction <add>, %mul3A, %reduce_sum3A_49 [0] : vector<1000x128xf32> to vector<128xf32>
    %broadcast_in_dim3A_51 = vector.shape_cast %reduce_sum3A_50 : vector<128xf32> to vector<1x128xf32>
    %add3A_52 = arith.addf %get3A_48, %broadcast_in_dim3A_51 : vector<1x128xf32>
    %swap3A_53 = arith.constant 0 : index
    %swap3A_54 = arith.constant 0 : index
    %swap3A_55 = vector.load %arg9[%swap3A_53, %swap3A_54] : memref<1x128xf32, #tpu.memory_space<vmem>>, vector<1x128xf32>
    tpu.vector_store %arg9[%swap3A_53, %swap3A_54], %add3A_52 {strides = array<i32>} : memref<1x128xf32, #tpu.memory_space<vmem>>, vector<1x128xf32>,
    return
  }
  func.func @transform_0(%arg0: i32) -> (i32, i32, i32) {
    %c0_i32 = arith.constant 0 : i32
    %c0_i32_0 = arith.constant 0 : i32
    %c0_i32_1 = arith.constant 0 : i32
    return %c0_i32, %arg0, %c0_i32_0 : i32, i32, i32
  }
  func.func @transform_1(%arg0: i32) -> (i32, i32, i32) {
    %c1_i32 = arith.constant 1 : i32
    %c0_i32 = arith.constant 0 : i32
    %c0_i32_0 = arith.constant 0 : i32
    return %c1_i32, %arg0, %c0_i32 : i32, i32, i32
  }
  func.func @transform_2(%arg0: i32) -> (i32, i32) {
    %c0_i32 = arith.constant 0 : i32
    %c0_i32_0 = arith.constant 0 : i32
    %c0_i32_1 = arith.constant 0 : i32
    return %c0_i32, %c0_i32_0 : i32, i32
  }
  func.func @transform_3(%arg0: i32) -> (i32, i32) {
    %c0_i32 = arith.constant 0 : i32
    %c0_i32_0 = arith.constant 0 : i32
    %c0_i32_1 = arith.constant 0 : i32
    return %c0_i32, %c0_i32_0 : i32, i32
  }
  func.func @transform_4(%arg0: i32) -> (i32, i32) {
    %c0_i32 = arith.constant 0 : i32
    %c0_i32_0 = arith.constant 0 : i32
    %c0_i32_1 = arith.constant 0 : i32
    return %c0_i32, %c0_i32_0 : i32, i32
  }
  func.func @transform_5(%arg0: i32) -> (i32, i32) {
    %c0_i32 = arith.constant 0 : i32
    %c0_i32_0 = arith.constant 0 : i32
    %c0_i32_1 = arith.constant 0 : i32
    return %c0_i32, %c0_i32_0 : i32, i32
  }
  func.func @transform_6(%arg0: i32) -> (i32, i32) {
    %c0_i32 = arith.constant 0 : i32
    %c0_i32_0 = arith.constant 0 : i32
    return %arg0, %c0_i32 : i32, i32
  }
  func.func @transform_7(%arg0: i32) -> (i32, i32) {
    %c0_i32 = arith.constant 0 : i32
    %c0_i32_0 = arith.constant 0 : i32
    %c0_i32_1 = arith.constant 0 : i32
    return %c0_i32, %c0_i32_0 : i32, i32
  }
  func.func @transform_8(%arg0: i32) -> (i32, i32) {
    %c0_i32 = arith.constant 0 : i32
    %c0_i32_0 = arith.constant 0 : i32
    %c0_i32_1 = arith.constant 0 : i32
    return %c0_i32, %c0_i32_0 : i32, i32
  }
  func.func @transform_9(%arg0: i32) -> (i32, i32) {
    %c0_i32 = arith.constant 0 : i32
    %c0_i32_0 = arith.constant 0 : i32
    %c0_i32_1 = arith.constant 0 : i32
    return %c0_i32, %c0_i32_0 : i32, i32
  }
}

module attributes {stable_mosaic.version = 14 : i64} {
  func.func @body(%arg0: i32, %arg1: memref<1000x128xf32, #tpu.memory_space<vmem>>, %arg2: memref<1x128xf32, #tpu.memory_space<vmem>>, %arg3: memref<1x128xf32, #tpu.memory_space<vmem>>, %arg4: memref<1x128xf32, #tpu.memory_space<vmem>>, %arg5: memref<1x128xf32, #tpu.memory_space<vmem>>, %arg6: memref<1x128xf32, #tpu.memory_space<vmem>>, %arg7: memref<1000x64xf32, #tpu.memory_space<vmem>>, %arg8: memref<1000x128xf32, #tpu.memory_space<vmem>>, %arg9: memref<64x128xf32, #tpu.memory_space<vmem>>) attributes {dimension_semantics = [#tpu.dimension_semantics<arbitrary>], iteration_bounds = array<i64: 10>, scalar_prefetch = 0 : i64, scratch_operands = 0 : i64, tpu.core_type = #tpu.core_type<tc>, window_params = [{transform_indices = @transform_0, window_bounds = array<i64: 1000, 128>}, {pipeline_mode = #tpu.pipeline_mode<synchronous>, transform_indices = @transform_1, window_bounds = array<i64: 1, 128>}, {pipeline_mode = #tpu.pipeline_mode<synchronous>, transform_indices = @transform_2, window_bounds = array<i64: 1, 128>}, {pipeline_mode = #tpu.pipeline_mode<synchronous>, transform_indices = @transform_3, window_bounds = array<i64: 1, 128>}, {pipeline_mode = #tpu.pipeline_mode<synchronous>, transform_indices = @transform_4, window_bounds = array<i64: 1, 128>}, {pipeline_mode = #tpu.pipeline_mode<synchronous>, transform_indices = @transform_5, window_bounds = array<i64: 1, 128>}, {transform_indices = @transform_6, window_bounds = array<i64: 1000, 64>}, {transform_indices = @transform_7, window_bounds = array<i64: 1000, 128>}, {pipeline_mode = #tpu.pipeline_mode<synchronous>, transform_indices = @transform_8, window_bounds = array<i64: 64, 128>}]} {
    %get3A = arith.constant 0 : index
    %get3A_0 = arith.constant 0 : index
    %get3A_1 = vector.load %arg2[%get3A, %get3A_0] : memref<1x128xf32, #tpu.memory_space<vmem>>, vector<1x128xf32>
    %mul3A = arith.constant 9.99999974E-5 : f32
    %mul3A_2 = vector.broadcast %mul3A : f32 to vector<1x128xf32>
    %mul3A_3 = arith.mulf %get3A_1, %mul3A_2 : vector<1x128xf32>
    %get3A_4 = arith.constant 0 : index
    %get3A_5 = arith.constant 0 : index
    %get3A_6 = vector.load %arg4[%get3A_4, %get3A_5] : memref<1x128xf32, #tpu.memory_space<vmem>>, vector<1x128xf32>
    %add3A = arith.addf %get3A_6, %mul3A_3 : vector<1x128xf32>
    %get3A_7 = arith.constant 0 : index
    %get3A_8 = arith.constant 0 : index
    %get3A_9 = vector.load %arg3[%get3A_7, %get3A_8] : memref<1x128xf32, #tpu.memory_space<vmem>>, vector<1x128xf32>
    %mul3A_10 = arith.constant 9.99999974E-5 : f32
    %mul3A_11 = vector.broadcast %mul3A_10 : f32 to vector<1x128xf32>
    %mul3A_12 = arith.mulf %get3A_9, %mul3A_11 : vector<1x128xf32>
    %mul3A_13 = arith.mulf %mul3A_3, %mul3A_3 : vector<1x128xf32>
    %sub3A = arith.subf %mul3A_12, %mul3A_13 : vector<1x128xf32>
    %add3A_14 = arith.constant 9.99999974E-6 : f32
    %add3A_15 = vector.broadcast %add3A_14 : f32 to vector<1x128xf32>
    %add3A_16 = arith.addf %sub3A, %add3A_15 : vector<1x128xf32>
    %rsqrt3A = math.rsqrt %add3A_16 : vector<1x128xf32>
    %get3A_17 = arith.constant 0 : index
    %get3A_18 = arith.constant 0 : index
    %get3A_19 = vector.load %arg5[%get3A_17, %get3A_18] : memref<1x128xf32, #tpu.memory_space<vmem>>, vector<1x128xf32>
    %mul3A_20 = arith.mulf %get3A_19, %rsqrt3A : vector<1x128xf32>
    %get3A_21 = arith.constant 0 : index
    %get3A_22 = arith.constant 0 : index
    %get3A_23 = vector.load %arg6[%get3A_21, %get3A_22] : memref<1x128xf32, #tpu.memory_space<vmem>>, vector<1x128xf32>
    %mul3A_24 = arith.mulf %add3A, %mul3A_20 : vector<1x128xf32>
    %sub3A_25 = arith.subf %get3A_23, %mul3A_24 : vector<1x128xf32>
    %get3A_26 = arith.constant 0 : index
    %get3A_27 = arith.constant 0 : index
    %get3A_28 = vector.load %arg1[%get3A_26, %get3A_27] : memref<1000x128xf32, #tpu.memory_space<vmem>>, vector<1000x128xf32>
    %mul3A_29 = vector.broadcast %mul3A_20 : vector<1x128xf32> to vector<1000x128xf32>
    %mul3A_30 = arith.mulf %get3A_28, %mul3A_29 : vector<1000x128xf32>
    %add3A_31 = vector.broadcast %sub3A_25 : vector<1x128xf32> to vector<1000x128xf32>
    %add3A_32 = arith.addf %mul3A_30, %add3A_31 : vector<1000x128xf32>
    %max3A = arith.constant 0.000000e+00 : f32
    %max3A_33 = vector.broadcast %max3A : f32 to vector<1000x128xf32>
    %max3A_34 = arith.maximumf %add3A_32, %max3A_33 : vector<1000x128xf32>
    %swap3A = arith.constant 0 : index
    %swap3A_35 = arith.constant 0 : index
    %swap3A_36 = vector.load %arg8[%swap3A, %swap3A_35] : memref<1000x128xf32, #tpu.memory_space<vmem>>, vector<1000x128xf32>
    tpu.vector_store %arg8[%swap3A, %swap3A_35], %max3A_34 {strides = array<i32>} : memref<1000x128xf32, #tpu.memory_space<vmem>>, vector<1000x128xf32>,
    %eq3A = arith.constant 0 : i32
    %eq3A_37 = arith.cmpi eq, %arg0, %eq3A : i32
    %convert_element_type3A = arith.extui %eq3A_37 : i1 to i32
    %cond3A = arith.constant 0 : i32
    %cond3A_38 = arith.cmpi ne, %convert_element_type3A, %cond3A : i32
    scf.if %cond3A_38 {
      %broadcast_in_dim3A = arith.constant 0.000000e+00 : f32
      %broadcast_in_dim3A_50 = vector.broadcast %broadcast_in_dim3A : f32 to vector<64x128xf32>
      %swap3A_51 = arith.constant 0 : index
      %swap3A_52 = arith.constant 0 : index
      %swap3A_53 = vector.load %arg9[%swap3A_51, %swap3A_52] : memref<64x128xf32, #tpu.memory_space<vmem>>, vector<64x128xf32>
      tpu.vector_store %arg9[%swap3A_51, %swap3A_52], %broadcast_in_dim3A_50 {strides = array<i32>} : memref<64x128xf32, #tpu.memory_space<vmem>>, vector<64x128xf32>,
    } else {
    }
    %get3A_39 = arith.constant 0 : index
    %get3A_40 = arith.constant 0 : index
    %get3A_41 = vector.load %arg9[%get3A_39, %get3A_40] : memref<64x128xf32, #tpu.memory_space<vmem>>, vector<64x128xf32>
    %get3A_42 = arith.constant 0 : index
    %get3A_43 = arith.constant 0 : index
    %get3A_44 = vector.load %arg7[%get3A_42, %get3A_43] : memref<1000x64xf32, #tpu.memory_space<vmem>>, vector<1000x64xf32>
    %dot_general3A = arith.constant dense<0.000000e+00> : vector<64x128xf32>
    %dot_general3A_45 = tpu.matmul %get3A_44, %max3A_34, %dot_general3A {dimension_numbers = #tpu.dot_dimension_numbers<[0], [0], [1], [1], [0, 1, 1, 1], [], []>, precision = #tpu.contract_precision<fp32>, transpose_lhs_hint = false} : vector<1000x64xf32>, vector<1000x128xf32>, vector<64x128xf32> -> vector<64x128xf32>
    %add3A_46 = arith.addf %get3A_41, %dot_general3A_45 : vector<64x128xf32>
    %swap3A_47 = arith.constant 0 : index
    %swap3A_48 = arith.constant 0 : index
    %swap3A_49 = vector.load %arg9[%swap3A_47, %swap3A_48] : memref<64x128xf32, #tpu.memory_space<vmem>>, vector<64x128xf32>
    tpu.vector_store %arg9[%swap3A_47, %swap3A_48], %add3A_46 {strides = array<i32>} : memref<64x128xf32, #tpu.memory_space<vmem>>, vector<64x128xf32>,
    return
  }
  func.func @transform_0(%arg0: i32) -> (i32, i32) {
    %c0_i32 = arith.constant 0 : i32
    %c0_i32_0 = arith.constant 0 : i32
    return %arg0, %c0_i32 : i32, i32
  }
  func.func @transform_1(%arg0: i32) -> (i32, i32) {
    %c0_i32 = arith.constant 0 : i32
    %c0_i32_0 = arith.constant 0 : i32
    %c0_i32_1 = arith.constant 0 : i32
    return %c0_i32, %c0_i32_0 : i32, i32
  }
  func.func @transform_2(%arg0: i32) -> (i32, i32) {
    %c0_i32 = arith.constant 0 : i32
    %c0_i32_0 = arith.constant 0 : i32
    %c0_i32_1 = arith.constant 0 : i32
    return %c0_i32, %c0_i32_0 : i32, i32
  }
  func.func @transform_3(%arg0: i32) -> (i32, i32) {
    %c0_i32 = arith.constant 0 : i32
    %c0_i32_0 = arith.constant 0 : i32
    %c0_i32_1 = arith.constant 0 : i32
    return %c0_i32, %c0_i32_0 : i32, i32
  }
  func.func @transform_4(%arg0: i32) -> (i32, i32) {
    %c0_i32 = arith.constant 0 : i32
    %c0_i32_0 = arith.constant 0 : i32
    %c0_i32_1 = arith.constant 0 : i32
    return %c0_i32, %c0_i32_0 : i32, i32
  }
  func.func @transform_5(%arg0: i32) -> (i32, i32) {
    %c0_i32 = arith.constant 0 : i32
    %c0_i32_0 = arith.constant 0 : i32
    %c0_i32_1 = arith.constant 0 : i32
    return %c0_i32, %c0_i32_0 : i32, i32
  }
  func.func @transform_6(%arg0: i32) -> (i32, i32) {
    %c0_i32 = arith.constant 0 : i32
    %c0_i32_0 = arith.constant 0 : i32
    return %arg0, %c0_i32 : i32, i32
  }
  func.func @transform_7(%arg0: i32) -> (i32, i32) {
    %c0_i32 = arith.constant 0 : i32
    %c0_i32_0 = arith.constant 0 : i32
    return %arg0, %c0_i32 : i32, i32
  }
  func.func @transform_8(%arg0: i32) -> (i32, i32) {
    %c0_i32 = arith.constant 0 : i32
    %c0_i32_0 = arith.constant 0 : i32
    %c0_i32_1 = arith.constant 0 : i32
    return %c0_i32, %c0_i32_0 : i32, i32
  }
}

module attributes {stable_mosaic.version = 14 : i64} {
  func.func @body(%arg0: i32, %arg1: memref<1000x128xf32, #tpu.memory_space<vmem>>, %arg2: memref<1x128xf32, #tpu.memory_space<vmem>>, %arg3: memref<1x128xf32, #tpu.memory_space<vmem>>, %arg4: memref<1x128xf32, #tpu.memory_space<vmem>>, %arg5: memref<1x128xf32, #tpu.memory_space<vmem>>, %arg6: memref<1x128xf32, #tpu.memory_space<vmem>>, %arg7: memref<1000x64xf32, #tpu.memory_space<vmem>>, %arg8: memref<1000x128xf32, #tpu.memory_space<vmem>>, %arg9: memref<64x128xf32, #tpu.memory_space<vmem>>) attributes {dimension_semantics = [#tpu.dimension_semantics<arbitrary>], iteration_bounds = array<i64: 10>, scalar_prefetch = 0 : i64, scratch_operands = 0 : i64, tpu.core_type = #tpu.core_type<tc>, window_params = [{transform_indices = @transform_0, window_bounds = array<i64: 1000, 128>}, {pipeline_mode = #tpu.pipeline_mode<synchronous>, transform_indices = @transform_1, window_bounds = array<i64: 1, 128>}, {pipeline_mode = #tpu.pipeline_mode<synchronous>, transform_indices = @transform_2, window_bounds = array<i64: 1, 128>}, {pipeline_mode = #tpu.pipeline_mode<synchronous>, transform_indices = @transform_3, window_bounds = array<i64: 1, 128>}, {pipeline_mode = #tpu.pipeline_mode<synchronous>, transform_indices = @transform_4, window_bounds = array<i64: 1, 128>}, {pipeline_mode = #tpu.pipeline_mode<synchronous>, transform_indices = @transform_5, window_bounds = array<i64: 1, 128>}, {transform_indices = @transform_6, window_bounds = array<i64: 1000, 64>}, {transform_indices = @transform_7, window_bounds = array<i64: 1000, 128>}, {pipeline_mode = #tpu.pipeline_mode<synchronous>, transform_indices = @transform_8, window_bounds = array<i64: 64, 128>}]} {
    %get3A = arith.constant 0 : index
    %get3A_0 = arith.constant 0 : index
    %get3A_1 = vector.load %arg2[%get3A, %get3A_0] : memref<1x128xf32, #tpu.memory_space<vmem>>, vector<1x128xf32>
    %mul3A = arith.constant 9.99999974E-5 : f32
    %mul3A_2 = vector.broadcast %mul3A : f32 to vector<1x128xf32>
    %mul3A_3 = arith.mulf %get3A_1, %mul3A_2 : vector<1x128xf32>
    %get3A_4 = arith.constant 0 : index
    %get3A_5 = arith.constant 0 : index
    %get3A_6 = vector.load %arg4[%get3A_4, %get3A_5] : memref<1x128xf32, #tpu.memory_space<vmem>>, vector<1x128xf32>
    %add3A = arith.addf %get3A_6, %mul3A_3 : vector<1x128xf32>
    %get3A_7 = arith.constant 0 : index
    %get3A_8 = arith.constant 0 : index
    %get3A_9 = vector.load %arg3[%get3A_7, %get3A_8] : memref<1x128xf32, #tpu.memory_space<vmem>>, vector<1x128xf32>
    %mul3A_10 = arith.constant 9.99999974E-5 : f32
    %mul3A_11 = vector.broadcast %mul3A_10 : f32 to vector<1x128xf32>
    %mul3A_12 = arith.mulf %get3A_9, %mul3A_11 : vector<1x128xf32>
    %mul3A_13 = arith.mulf %mul3A_3, %mul3A_3 : vector<1x128xf32>
    %sub3A = arith.subf %mul3A_12, %mul3A_13 : vector<1x128xf32>
    %add3A_14 = arith.constant 9.99999974E-6 : f32
    %add3A_15 = vector.broadcast %add3A_14 : f32 to vector<1x128xf32>
    %add3A_16 = arith.addf %sub3A, %add3A_15 : vector<1x128xf32>
    %rsqrt3A = math.rsqrt %add3A_16 : vector<1x128xf32>
    %get3A_17 = arith.constant 0 : index
    %get3A_18 = arith.constant 0 : index
    %get3A_19 = vector.load %arg5[%get3A_17, %get3A_18] : memref<1x128xf32, #tpu.memory_space<vmem>>, vector<1x128xf32>
    %mul3A_20 = arith.mulf %get3A_19, %rsqrt3A : vector<1x128xf32>
    %get3A_21 = arith.constant 0 : index
    %get3A_22 = arith.constant 0 : index
    %get3A_23 = vector.load %arg6[%get3A_21, %get3A_22] : memref<1x128xf32, #tpu.memory_space<vmem>>, vector<1x128xf32>
    %mul3A_24 = arith.mulf %add3A, %mul3A_20 : vector<1x128xf32>
    %sub3A_25 = arith.subf %get3A_23, %mul3A_24 : vector<1x128xf32>
    %get3A_26 = arith.constant 0 : index
    %get3A_27 = arith.constant 0 : index
    %get3A_28 = vector.load %arg1[%get3A_26, %get3A_27] : memref<1000x128xf32, #tpu.memory_space<vmem>>, vector<1000x128xf32>
    %mul3A_29 = vector.broadcast %mul3A_20 : vector<1x128xf32> to vector<1000x128xf32>
    %mul3A_30 = arith.mulf %get3A_28, %mul3A_29 : vector<1000x128xf32>
    %add3A_31 = vector.broadcast %sub3A_25 : vector<1x128xf32> to vector<1000x128xf32>
    %add3A_32 = arith.addf %mul3A_30, %add3A_31 : vector<1000x128xf32>
    %max3A = arith.constant 0.000000e+00 : f32
    %max3A_33 = vector.broadcast %max3A : f32 to vector<1000x128xf32>
    %max3A_34 = arith.maximumf %add3A_32, %max3A_33 : vector<1000x128xf32>
    %swap3A = arith.constant 0 : index
    %swap3A_35 = arith.constant 0 : index
    %swap3A_36 = vector.load %arg8[%swap3A, %swap3A_35] : memref<1000x128xf32, #tpu.memory_space<vmem>>, vector<1000x128xf32>
    tpu.vector_store %arg8[%swap3A, %swap3A_35], %max3A_34 {strides = array<i32>} : memref<1000x128xf32, #tpu.memory_space<vmem>>, vector<1000x128xf32>,
    %eq3A = arith.constant 0 : i32
    %eq3A_37 = arith.cmpi eq, %arg0, %eq3A : i32
    %convert_element_type3A = arith.extui %eq3A_37 : i1 to i32
    %cond3A = arith.constant 0 : i32
    %cond3A_38 = arith.cmpi ne, %convert_element_type3A, %cond3A : i32
    scf.if %cond3A_38 {
      %broadcast_in_dim3A = arith.constant 0.000000e+00 : f32
      %broadcast_in_dim3A_50 = vector.broadcast %broadcast_in_dim3A : f32 to vector<64x128xf32>
      %swap3A_51 = arith.constant 0 : index
      %swap3A_52 = arith.constant 0 : index
      %swap3A_53 = vector.load %arg9[%swap3A_51, %swap3A_52] : memref<64x128xf32, #tpu.memory_space<vmem>>, vector<64x128xf32>
      tpu.vector_store %arg9[%swap3A_51, %swap3A_52], %broadcast_in_dim3A_50 {strides = array<i32>} : memref<64x128xf32, #tpu.memory_space<vmem>>, vector<64x128xf32>,
    } else {
    }
    %get3A_39 = arith.constant 0 : index
    %get3A_40 = arith.constant 0 : index
    %get3A_41 = vector.load %arg9[%get3A_39, %get3A_40] : memref<64x128xf32, #tpu.memory_space<vmem>>, vector<64x128xf32>
    %get3A_42 = arith.constant 0 : index
    %get3A_43 = arith.constant 0 : index
    %get3A_44 = vector.load %arg7[%get3A_42, %get3A_43] : memref<1000x64xf32, #tpu.memory_space<vmem>>, vector<1000x64xf32>
    %dot_general3A = arith.constant dense<0.000000e+00> : vector<64x128xf32>
    %dot_general3A_45 = tpu.matmul %get3A_44, %max3A_34, %dot_general3A {dimension_numbers = #tpu.dot_dimension_numbers<[0], [0], [1], [1], [0, 1, 1, 1], [], []>, precision = #tpu.contract_precision<fp32>, transpose_lhs_hint = false} : vector<1000x64xf32>, vector<1000x128xf32>, vector<64x128xf32> -> vector<64x128xf32>
    %add3A_46 = arith.addf %get3A_41, %dot_general3A_45 : vector<64x128xf32>
    %swap3A_47 = arith.constant 0 : index
    %swap3A_48 = arith.constant 0 : index
    %swap3A_49 = vector.load %arg9[%swap3A_47, %swap3A_48] : memref<64x128xf32, #tpu.memory_space<vmem>>, vector<64x128xf32>
    tpu.vector_store %arg9[%swap3A_47, %swap3A_48], %add3A_46 {strides = array<i32>} : memref<64x128xf32, #tpu.memory_space<vmem>>, vector<64x128xf32>,
    return
  }
  func.func @transform_0(%arg0: i32) -> (i32, i32) {
    %c0_i32 = arith.constant 0 : i32
    %c0_i32_0 = arith.constant 0 : i32
    return %arg0, %c0_i32 : i32, i32
  }
  func.func @transform_1(%arg0: i32) -> (i32, i32) {
    %c0_i32 = arith.constant 0 : i32
    %c0_i32_0 = arith.constant 0 : i32
    %c0_i32_1 = arith.constant 0 : i32
    return %c0_i32, %c0_i32_0 : i32, i32
  }
  func.func @transform_2(%arg0: i32) -> (i32, i32) {
    %c0_i32 = arith.constant 0 : i32
    %c0_i32_0 = arith.constant 0 : i32
    %c0_i32_1 = arith.constant 0 : i32
    return %c0_i32, %c0_i32_0 : i32, i32
  }
  func.func @transform_3(%arg0: i32) -> (i32, i32) {
    %c0_i32 = arith.constant 0 : i32
    %c0_i32_0 = arith.constant 0 : i32
    %c0_i32_1 = arith.constant 0 : i32
    return %c0_i32, %c0_i32_0 : i32, i32
  }
  func.func @transform_4(%arg0: i32) -> (i32, i32) {
    %c0_i32 = arith.constant 0 : i32
    %c0_i32_0 = arith.constant 0 : i32
    %c0_i32_1 = arith.constant 0 : i32
    return %c0_i32, %c0_i32_0 : i32, i32
  }
  func.func @transform_5(%arg0: i32) -> (i32, i32) {
    %c0_i32 = arith.constant 0 : i32
    %c0_i32_0 = arith.constant 0 : i32
    %c0_i32_1 = arith.constant 0 : i32
    return %c0_i32, %c0_i32_0 : i32, i32
  }
  func.func @transform_6(%arg0: i32) -> (i32, i32) {
    %c0_i32 = arith.constant 0 : i32
    %c0_i32_0 = arith.constant 0 : i32
    return %arg0, %c0_i32 : i32, i32
  }
  func.func @transform_7(%arg0: i32) -> (i32, i32) {
    %c0_i32 = arith.constant 0 : i32
    %c0_i32_0 = arith.constant 0 : i32
    return %arg0, %c0_i32 : i32, i32
  }
  func.func @transform_8(%arg0: i32) -> (i32, i32) {
    %c0_i32 = arith.constant 0 : i32
    %c0_i32_0 = arith.constant 0 : i32
    %c0_i32_1 = arith.constant 0 : i32
    return %c0_i32, %c0_i32_0 : i32, i32
  }
}

module attributes {stable_mosaic.version = 14 : i64} {
  func.func @body(%arg0: memref<64x512xf32, #tpu.memory_space<vmem>>, %arg1: memref<512x256xf32, #tpu.memory_space<vmem>>, %arg2: memref<1x256xf32, #tpu.memory_space<vmem>>, %arg3: memref<256x128xf32, #tpu.memory_space<vmem>>, %arg4: memref<1x128xf32, #tpu.memory_space<vmem>>, %arg5: memref<128x384xf32, #tpu.memory_space<vmem>>, %arg6: memref<1x384xf32, #tpu.memory_space<vmem>>, %arg7: memref<384x6xf32, #tpu.memory_space<vmem>>, %arg8: memref<1x6xf32, #tpu.memory_space<vmem>>, %arg9: memref<64x6xf32, #tpu.memory_space<vmem>>) attributes {dimension_semantics = [], scalar_prefetch = 0 : i64, scratch_operands = 0 : i64, tpu.core_type = #tpu.core_type<tc>} {
    %get3A = arith.constant 0 : index
    %get3A_0 = arith.constant 0 : index
    %get3A_1 = vector.load %arg0[%get3A, %get3A_0] : memref<64x512xf32, #tpu.memory_space<vmem>>, vector<64x512xf32>
    %get3A_2 = arith.constant 0 : index
    %get3A_3 = arith.constant 0 : index
    %get3A_4 = vector.load %arg1[%get3A_2, %get3A_3] : memref<512x256xf32, #tpu.memory_space<vmem>>, vector<512x256xf32>
    %dot_general3A = arith.constant dense<0.000000e+00> : vector<64x256xf32>
    %dot_general3A_5 = tpu.matmul %get3A_1, %get3A_4, %dot_general3A {dimension_numbers = #tpu.dot_dimension_numbers<[1], [0], [0], [1], [0, 0, 1, 1], [], []>, transpose_lhs_hint = false} : vector<64x512xf32>, vector<512x256xf32>, vector<64x256xf32> -> vector<64x256xf32>
    %get3A_6 = arith.constant 0 : index
    %get3A_7 = arith.constant 0 : index
    %get3A_8 = vector.load %arg2[%get3A_6, %get3A_7] : memref<1x256xf32, #tpu.memory_space<vmem>>, vector<1x256xf32>
    %add3A = vector.broadcast %get3A_8 : vector<1x256xf32> to vector<64x256xf32>
    %add3A_9 = arith.addf %dot_general3A_5, %add3A : vector<64x256xf32>
    %max3A = arith.constant 0.000000e+00 : f32
    %max3A_10 = vector.broadcast %max3A : f32 to vector<64x256xf32>
    %max3A_11 = arith.maximumf %add3A_9, %max3A_10 : vector<64x256xf32>
    %get3A_12 = arith.constant 0 : index
    %get3A_13 = arith.constant 0 : index
    %get3A_14 = vector.load %arg3[%get3A_12, %get3A_13] : memref<256x128xf32, #tpu.memory_space<vmem>>, vector<256x128xf32>
    %dot_general3A_15 = arith.constant dense<0.000000e+00> : vector<64x128xf32>
    %dot_general3A_16 = tpu.matmul %max3A_11, %get3A_14, %dot_general3A_15 {dimension_numbers = #tpu.dot_dimension_numbers<[1], [0], [0], [1], [0, 0, 1, 1], [], []>, transpose_lhs_hint = false} : vector<64x256xf32>, vector<256x128xf32>, vector<64x128xf32> -> vector<64x128xf32>
    %get3A_17 = arith.constant 0 : index
    %get3A_18 = arith.constant 0 : index
    %get3A_19 = vector.load %arg4[%get3A_17, %get3A_18] : memref<1x128xf32, #tpu.memory_space<vmem>>, vector<1x128xf32>
    %add3A_20 = vector.broadcast %get3A_19 : vector<1x128xf32> to vector<64x128xf32>
    %add3A_21 = arith.addf %dot_general3A_16, %add3A_20 : vector<64x128xf32>
    %max3A_22 = arith.constant 0.000000e+00 : f32
    %max3A_23 = vector.broadcast %max3A_22 : f32 to vector<64x128xf32>
    %max3A_24 = arith.maximumf %add3A_21, %max3A_23 : vector<64x128xf32>
    %get3A_25 = arith.constant 0 : index
    %get3A_26 = arith.constant 0 : index
    %get3A_27 = vector.load %arg5[%get3A_25, %get3A_26] : memref<128x384xf32, #tpu.memory_space<vmem>>, vector<128x384xf32>
    %dot_general3A_28 = arith.constant dense<0.000000e+00> : vector<64x384xf32>
    %dot_general3A_29 = tpu.matmul %max3A_24, %get3A_27, %dot_general3A_28 {dimension_numbers = #tpu.dot_dimension_numbers<[1], [0], [0], [1], [0, 0, 1, 1], [], []>, transpose_lhs_hint = false} : vector<64x128xf32>, vector<128x384xf32>, vector<64x384xf32> -> vector<64x384xf32>
    %get3A_30 = arith.constant 0 : index
    %get3A_31 = arith.constant 0 : index
    %get3A_32 = vector.load %arg6[%get3A_30, %get3A_31] : memref<1x384xf32, #tpu.memory_space<vmem>>, vector<1x384xf32>
    %add3A_33 = vector.broadcast %get3A_32 : vector<1x384xf32> to vector<64x384xf32>
    %add3A_34 = arith.addf %dot_general3A_29, %add3A_33 : vector<64x384xf32>
    %max3A_35 = arith.constant 0.000000e+00 : f32
    %max3A_36 = vector.broadcast %max3A_35 : f32 to vector<64x384xf32>
    %max3A_37 = arith.maximumf %add3A_34, %max3A_36 : vector<64x384xf32>
    %get3A_38 = arith.constant 0 : index
    %get3A_39 = arith.constant 0 : index
    %get3A_40 = vector.load %arg7[%get3A_38, %get3A_39] : memref<384x6xf32, #tpu.memory_space<vmem>>, vector<384x6xf32>
    %dot_general3A_41 = arith.constant dense<0.000000e+00> : vector<64x6xf32>
    %dot_general3A_42 = tpu.matmul %max3A_37, %get3A_40, %dot_general3A_41 {dimension_numbers = #tpu.dot_dimension_numbers<[1], [0], [0], [1], [0, 0, 1, 1], [], []>, transpose_lhs_hint = false} : vector<64x384xf32>, vector<384x6xf32>, vector<64x6xf32> -> vector<64x6xf32>
    %get3A_43 = arith.constant 0 : index
    %get3A_44 = arith.constant 0 : index
    %get3A_45 = vector.load %arg8[%get3A_43, %get3A_44] : memref<1x6xf32, #tpu.memory_space<vmem>>, vector<1x6xf32>
    %add3A_46 = vector.broadcast %get3A_45 : vector<1x6xf32> to vector<64x6xf32>
    %add3A_47 = arith.addf %dot_general3A_42, %add3A_46 : vector<64x6xf32>
    %swap3A = arith.constant 0 : index
    %swap3A_48 = arith.constant 0 : index
    %swap3A_49 = vector.load %arg9[%swap3A, %swap3A_48] : memref<64x6xf32, #tpu.memory_space<vmem>>, vector<64x6xf32>
    tpu.vector_store %arg9[%swap3A, %swap3A_48], %add3A_47 {strides = array<i32>} : memref<64x6xf32, #tpu.memory_space<vmem>>, vector<64x6xf32>,
    return
  }
}

</mosaic_0001>

<sc_bundles>
// kernel: kernel.16.cloned.1.call-start
scs
__scs_entry_jumppad:
0x0: {  	(pc) =	sbr.rel $0x88, $3  }
0x1: {  	(tag) =	ssettag $0x0;
	lr =	simm.s32 $0x1  }
0x2: {  	[smem:$0x3F68] =	sst lr;
	_ =	strace $0xD0000000  }
0x3: {  	_ = 	snop  }
0x4: {  	_ = 	snop  }
0x5: {  	_ = 	snop  }
0x6: {  	_ = 	snop  }
0x7: {  	_ = 	snop  }
__scs_overlays_trampoline_lowered:
0x8: {  	[smem:$0x3F77] =	sst s0  }
0x9: {  	[smem:$0x3F78] =	sst s1  }
0xa: {  	[smem:$0x3F79] =	sst s2  }
0xb: {  	[smem:$0x3F7A] =	sst s3  }
0xc: {  	[smem:$0x3F7B] =	sst s4  }
0xd: {  	[smem:$0x3F7C] =	sst s5  }
0xe: {  	[smem:$0x3F7D] =	sst s6  }
0xf: {  	[smem:$0x3F7E] =	sst s7  }
0x10: {  	[smem:$0x3F7F] =	sst s8  }
0x11: {  	[smem:$0x3F80] =	sst s9;
	s0 =	simm.s32 @!p0 $0x0  }
0x12: {  	s1 =	sld [smem:$0x3F66];
	s0 =	simm.s32 @p0 $0x1  }
0x13: {  	[smem:$0x3F81] =	sst s0;
	s0 =	simm.s32 @!p1 $0x0  }
0x14: {  	s2 =	sld [smem:$0x3F65];
	s0 =	simm.s32 @p1 $0x1  }
0x15: {  	[smem:$0x3F82] =	sst s0;
	s0 =	simm.s32 @!p2 $0x0  }
0x16: {  	s3 =	sld [smem:$0x3FDB];
	s0 =	simm.s32 @p2 $0x1  }
0x17: {  	s4 =	simm.s32 $0x1BF5;
	[smem:$0x3F84] =	sst s0  }
0x18: {  	s0 =	sld [smem:$0x3F67];
	_ =	swait.ge [sflag:s4], $0x0  }
0x19: {  	s7 =	sld [smem:$0x3F68]  }
0x1a: {  	s8 =	sadd.s32 $0xFFFFE003, lr  }
0x1b: {  	s9 =	sadd.s32 $0xFFFFFEF7, lr;
	s5 =	simm.s32 $0xFFFFFFFF;
	p2 =	slt.u32 s8, $0xFFFFF086  }
0x1c: {  	p1 =	slt.u32 s9, $0xF7A;
	s5 =	simm.s32 @!p2 $0x0  }
0x1d: {  	s5 =	simm.s32 @p1 $0x1;
	p0 =	seq.s32 s7, s2  }
0x1e: {  	s7 =	smul.u32 @!p0 $0xF7A, s2;
	p2 =	seq.s32 @!p0 s5, $0x0  }
0x1f: {  	s9 =	smul.u32 $0xF7A, s1;
	s8 =	simm.s32 @!p0 $0x1BF5;
	p2 =	por !p2, p0  }
0x20: {  	[sflag:s8] =	ssyncset.s32 @!p0 $0xFFFFF086;
	s6 =	sadd.s32 @!p0 s3, s7;
	s7 =	simm.s32 @!p0 $0x108  }
0x21: {  	s3 =	sadd.s32 s3, s9;
	s6 =	sadd.s32 @!p0 $0x88, s6;
	s7 =	simm.s32 @p2 $0x1082  }
0x22: {  	[simem:s7], [sflag:s8] =	dma.local @!p0 [hbm:s6], $0xF7A  }
0x23: {  	s9 =	sor.u32 $0xD0000000, s2;
	s6 =	simm.s32 $0x108;
	_ =	swait.ge @!p0 [sflag:s8], $0x0  }
0x24: {  	s3 =	sadd.s32 $0x88, s3;
	s6 =	simm.s32 @!p1 $0x1082;
	[sflag:s4] =	ssyncset.s32 $0xFFFFF086  }
0x25: {  	[simem:s6], [sflag:s4] =	dma.local [hbm:s3], $0xF7A  }
0x26: {  	[smem:$0x3F68] =	sst s1;
	(tag) =	ssettag s2;
	_ =	strace s9  }
0x27: {  	s1 =	sld [smem:$0x3F78]  }
0x28: {  	s2 =	sld [smem:$0x3F79]  }
0x29: {  	s4 =	sld [smem:$0x3F7B]  }
0x2a: {  	p0 =	seq.s32 s5, $0x0;
	s5 =	sld [smem:$0x3F7C]  }
0x2b: {  	s6 =	sld [smem:$0x3F7D]  }
0x2c: {  	s7 =	sld [smem:$0x3F7E]  }
0x2d: {  	s3 =	simm.s32 $0x108;
	s8 =	sld [smem:$0x3F7F]  }
0x2e: {  	s3 =	simm.s32 @!p0 $0x1082;
	s9 =	sld [smem:$0x3F80]  }
0x2f: {  	lr =	sadd.s32 s0, s3;
	s0 =	sld [smem:$0x3F77]  }
0x30: {  	s3 =	sld [smem:$0x3F7A]  }
0x31: {  	[smem:$0x3F83] =	sst s10  }
0x32: {  	s10 =	sld [smem:$0x3F81];
	_ =	sdelay $0x3  }
0x33: {  	p0 =	seq.s32 s10, $0x1;
	s10 =	sld [smem:$0x3F83];
	_ =	sdelay $0x3  }
0x34: {  	[smem:$0x3F83] =	sst s10  }
0x35: {  	s10 =	sld [smem:$0x3F82];
	_ =	sdelay $0x3  }
0x36: {  	p1 =	seq.s32 s10, $0x1;
	s10 =	sld [smem:$0x3F83];
	_ =	sdelay $0x3  }
0x37: {  	[smem:$0x3F83] =	sst s10  }
0x38: {  	s10 =	sld [smem:$0x3F84]  }
0x39: {  	_ = 	snop;
	(pc) =	sbr.ind lr, $3  }
0x3a: {  	_ = 	snop  }
0x3b: {  	_ = 	snop  }
0x3c: {  	p2 =	seq.s32 s10, $0x1;
	s10 =	sld [smem:$0x3F83]  }
0x3d: {  	_ =	shalt  }
0x3e: {  	_ =	shalt  }
0x3f: {  	_ =	shalt  }
0x40: {  	_ =	shalt  }
0x41: {  	_ =	shalt  }
0x42: {  	_ =	shalt  }
0x43: {  	_ =	shalt  }
0x44: {  	_ =	shalt  }
0x45: {  	_ =	shalt  }
0x46: {  	_ =	shalt  }
0x47: {  	_ =	shalt  }
0x48: {  	_ =	shalt  }
0x49: {  	_ =	shalt  }
0x4a: {  	_ =	shalt  }
0x4b: {  	_ =	shalt  }
0x4c: {  	_ =	shalt  }
0x4d: {  	_ =	shalt  }
0x4e: {  	_ =	shalt  }
0x4f: {  	_ =	shalt  }
0x50: {  	_ =	shalt  }
0x51: {  	_ =	shalt  }
0x52: {  	_ =	shalt  }
0x53: {  	_ =	shalt  }
0x54: {  	_ =	shalt  }
0x55: {  	_ =	shalt  }
0x56: {  	_ =	shalt  }
0x57: {  	_ =	shalt  }
0x58: {  	_ =	shalt  }
0x59: {  	_ =	shalt  }
0x5a: {  	_ =	shalt  }
0x5b: {  	_ =	shalt  }
0x5c: {  	_ =	shalt  }
0x5d: {  	_ =	shalt  }
0x5e: {  	_ =	shalt  }
0x5f: {  	_ =	shalt  }
0x60: {  	_ =	shalt  }
0x61: {  	_ =	shalt  }
0x62: {  	_ =	shalt  }
0x63: {  	_ =	shalt  }
0x64: {  	_ =	shalt  }
0x65: {  	_ =	shalt  }
0x66: {  	_ =	shalt  }
0x67: {  	_ =	shalt  }
0x68: {  	_ =	shalt  }
0x69: {  	_ =	shalt  }
0x6a: {  	_ =	shalt  }
0x6b: {  	_ =	shalt  }
0x6c: {  	_ =	shalt  }
0x6d: {  	_ =	shalt  }
0x6e: {  	_ =	shalt  }
0x6f: {  	_ =	shalt  }
0x70: {  	_ =	shalt  }
0x71: {  	_ =	shalt  }
0x72: {  	_ =	shalt  }
0x73: {  	_ =	shalt  }
0x74: {  	_ =	shalt  }
0x75: {  	_ =	shalt  }
0x76: {  	_ =	shalt  }
0x77: {  	_ =	shalt  }
0x78: {  	_ =	shalt  }
0x79: {  	_ =	shalt  }
0x7a: {  	_ =	shalt  }
0x7b: {  	_ =	shalt  }
0x7c: {  	_ =	shalt  }
0x7d: {  	_ =	shalt  }
0x7e: {  	_ =	shalt  }
0x7f: {  	_ =	shalt  }
0x80: {  	_ =	shalt  }
0x81: {  	_ =	shalt  }
0x82: {  	_ =	shalt  }
0x83: {  	_ =	shalt  }
0x84: {  	_ =	shalt  }
0x85: {  	_ =	shalt  }
0x86: {  	_ =	shalt  }
0x87: {  	_ =	shalt  }
.Lfunc_end0:
.L_simem_size_0:
called_computation_lowered:
.L_overlay_start_0:
0x88: {  	s2 =	sld [smem:$0x3FD9]  }
0x89: {  	s3 =	sld [smem:$0x3FFE];
	_ =	sdelay $0x1  }
0x8a: {  	s1 =	srdreg.scid  }
0x8b: {  	s0 =	sand.u32 $0x1, s1  }
0x8c: {  	s16 =	sshll.u32 s0, $0xA;
	s2 =	sadd.s32 s3, s2  }
0x8d: {  	s2 =	sadd.s32 s2, s16  }
0x8e: {  	[smem:$0x3F8F] =	sst s2  }
0x8f: {  	_ = 	snop  }
0x90: {  	(tm) =	ssettm $0x1  }
0x91: {  	s17 =	sld [smem:$0x3FFB];
	_ =	sdelay $0x3  }
0x92: {  	_ =	strace s17  }
0x93: {  	s2 =	sld [smem:$0x3FFC];
	_ =	sdelay $0x3  }
0x94: {  	_ =	strace s2  }
0x95: {  	s2 =	sld [smem:$0x3FFD];
	_ =	sdelay $0x3  }
0x96: {  	_ =	strace s2  }
0x97: {  	_ =	strace $0x8FFFFFFF  }
0x98: {  	s18 =	sld [smem:$0x3FDB];
	_ =	sdelay $0x1  }
0x99: {  	s19 =	simm.s32 $_scs_section_size  }
0x9a: {  	s4 =	simm.s32 $_size__tile_overlayer_lowered;
	s5 =	simm.s32 $_tile_overlayer_lowered  }
0x9b: {  	s22 =	simm.s32 $0x1BFF;
	s21 =	sshll.u32 s5, $0x1;
	s2 =	sadd.s32 s19, s18  }
0x9c: {  	s6 =	simm.s32 $0x0;
	s20 =	sshll.u32 s4, $0x1;
	s4 =	sadd.s32 s21, s2  }
0x9d: {  	[timem:s6], [sflag:s22] =	dma.local [hbm:s4], s20  }
0x9e: {  	_ =	swait.ge [sflag:s22], s20  }
0x9f: {  	s3 =	ssub.s32 $0x0, s20;
	[sflag:s22] =	ssyncset.done $0x0  }
0xa0: {  	[sflag:s22] =	ssyncadd.s32 s3;
	_ =	sdelay $0x1  }
0xa1: {  	s23 =	simm.s32 $0x1B8B  }
0xa2: {  	_ =	swait.ge [sflag:s23], $0x1  }
0xa3: {  	[sflag:s23] =	ssyncset.done $0x0  }
0xa4: {  	s25 =	simm.s32 $0x1B8E;
	s24 =	sld [smem:$0x3FFE];
	[sflag:s23] =	ssyncadd.s32 $0xFFFFFFFF  }
0xa5: {  	s26 =	simm.s32 $execute0_lowered;
	[smem:$0x3FD2] =	sst s25  }
0xa6: {  	s4 =	sshll.u32 s26, $0x1;
	_ =	strace $0x80000046;
	[dreg:$0x1] =	wrdreg $0xFFFFFFFF  }
0xa7: {  	s28 =	simm.s32 $_size_execute0_lowered;
	s2 =	sadd.s32 s2, s4;
	[dreg:$0x0] =	wrdreg $0x0  }
0xa8: {  	s4 =	sshll.u32 s28, $0x1;
	[dreg:$0x2] =	wrdreg s2  }
0xa9: {  	[dreg:$0x3] =	wrdreg s4  }
0xaa: {  	[dreg:$0x4] =	wrdreg $0xC0  }
0xab: {  	_ =	task [dreg:s6], $0x5FFFF  }
0xac: {  	[dreg:$0x1] =	wrdreg $0xFFFFFFFF  }
0xad: {  	[dreg:$0x0] =	wrdreg $0x60  }
0xae: {  	[dreg:$0x2] =	wrdreg s24  }
0xaf: {  	[dreg:$0x3] =	wrdreg $0x29000  }
0xb0: {  	[dreg:$0x4] =	wrdreg $0x9  }
0xb1: {  	_ =	task.clear_ibuf [dreg:s6], $0x5FFFF;
	_ =	strace $0x90000046  }
0xb2: {  	s29 =	simm.s32 $0x9;
	_ =	strace $0x80000048  }
0xb3: {  	_ =	swait.ge [sflag:s29], $0x1  }
0xb4: {  	[sflag:s29] =	ssyncadd.s32 $0xFFFFFFFF  }
0xb5: {  	_ =	strace $0x90000048  }
0xb6: {  	_ =	sfence  }
0xb7: {  	s30 =	sld [smem:$0x0];
	_ =	sdelay $0x2  }
0xb8: {  	s31 =	sshll.u32 s1, $0xD;
	s1 =	sshrl.u32 s1, $0x2  }
0xb9: {  	s3 =	sand.u32 $0x4000, s31;
	s1 =	sadd.s32 s1, s30  }
0xba: {  	s0 =	sor.u32 s3, s0;
	s1 =	sshll.u32 s1, $0x11  }
0xbb: {  	s0 =	sor.u32 s1, s0  }
0xbc: {  	s0 =	sadd.s32 $0x8F2B, s0  }
0xbd: {  	[sflag:s0] =	ssyncadd.remote.s32 $0x1  }
0xbe: {  	_ =	sfence.sel $0xFFFF  }
0xbf: {  	[dreg:$0x0] =	wrdreg $0xFFFFFFFF;
	(pc) =	sbr.abs _section_cstart, $3  }
0xc0: {  	[dreg:$0x1] =	wrdreg $0xFFFFFFFF  }
0xc1: {  	_ =	task.clear_ibuf [dreg:s6], $0x2FFFF;
	_ =	strace $0x9FFFFFFF  }
0xc2: {  	(tm) =	ssettm $0x7FFFFFFF  }
0xc3: {  	_ =	shalt  }
tec
execute0_lowered:
.L_overlay_start_1:
0x0: {  	(tag) =	ssettag $0x1  }
0x1: {  	s5 =	rddreg [dreg:$0x0]  }
0x2: {  	s1 =	srdreg.scid;
	s0 =	stileid.u32  }
0x3: {  	s2 =	rddreg [dreg:$0x1];
	s3 =	simm.s32 $0x0;
	s12 =	simm.s32 $0x80  }
0x4: {  	s13 =	simm.s32 $0x50;
	s14 =	simm.s32 $0x100;
	s4 =	smul.u32 $0x4E20, s0  }
0x5: {  	s6 =	sand.u32 $0x1, s1;
	s1 =	rddreg [dreg:$0x2];
	s10 =	smul.u32 $0x50000, s0  }
0x6: {  	s15 =	simm.s32 $0x1;
	[smem:$0x7FF] =	sst s3;
	s16 =	smul.u32 $0x2800, s0  }
0x7: {  	s11 =	sadd.s32 $0x44800, s5;
	s31 =	sshll.u32 s0, $0x6;
	s7 =	smul.u32 $0x2710, s6  }
0x8: {  	_ =	strace $0x80000047;
	s8 =	smul.u32 $0x28000, s6;
	s28 =	ssub.s32 $0x2, s6  }
0x9: {  	p0 =	seq.s32 s6, $0x0;
	s29 =	sshrl.u32 s28, $0x1;
	s30 =	sshrl.u32 s10, $0x2  }
0xa: {  	s7 =	sadd.s32 s7, s4;
	s4 =	sadd.s32 $0x1C800, s5;
	s10 =	sadd.s32 s30, s2  }
0xb: {  	s7 =	sshrl.u32 s7, $0x3;
	s11 =	smov.u32 @p0 s4;
	s10 =	sshrl.u32 s10, $0x3  }
0xc: {  	s9 =	sadd.s32 s7, s5;
	s5 =	sadd.s32 s8, s5;
	s7 =	ssub.s32 s28, s29  }
0xd: {  	s6 =	sadd.s32 s11, s16;
	s11 =	simm.s32 $0x2;
	s17 =	sadd.s32 $0x6C800, s5  }
0xe: {  	s5 =	smax.u32 s7, $0x1;
	s7 =	sor.u32 $0x1C02, s31;
	s8 =	sadd.s32 $0x8C00, s9  }
0xf: {  	s9 =	sadd.s32 $0x12A00, s9;
	s16 =	sadd.s32 s16, s17;
	s17 =	simm.s32 $0x0  }
.LBB2_1:
0x10: {  	[spmem:s10], [sflag:s7] =	dma.local [hbm:s6], $0x2800  }
0x11: {  	_ =	swait.ge [sflag:s11], $0x2800  }
0x12: {  	[sflag:s11] =	ssyncset.done $0x0  }
0x13: {  	[sflag:s11] =	ssyncadd.s32 $0xFFFFD800  }
0x14: {  	s18 =	sadd.s32 $0x0, s9;
	[bflag:$0x0] =	sbarrier.arrive $0xFFFF  }
0x15: {  	[tilespmem:s3], [sflag:$0x2] =	stream.linear.gather [hbm4b:s18+s3], $0x50, $0x38;
	[tilespmem:$0x16900] =	vst v63  }
0x16: {  	_ =	swait.ge [sflag:s11], $0x50  }
0x17: {  	[sflag:s11] =	ssyncset.done $0x0  }
0x18: {  	s31 =	sadd.s32 $0x0, s8;
	[sflag:s11] =	ssyncadd.s32 $0xFFFFFFB0  }
0x19: {  	[tilespmem:s12], [sflag:$0x2] =	stream.linear.gather [hbm4b:s31+s3], $0x50, $0x38;
	[tilespmem:$0x16900] =	vst v63  }
0x1a: {  	_ =	swait.ge [sflag:s11], $0x50  }
0x1b: {  	[sflag:s11] =	ssyncset.done $0x0  }
0x1c: {  	[sflag:s11] =	ssyncadd.s32 $0xFFFFFFB0  }
0x1d: {  	[tilespmem:s14], [sflag:$0x1] =	stream.indirect.gather [hbm4b:s4+s13], $0x80, s3, s13, $0xb8;
	[tilespmem:$0x16900] =	vst v63  }
0x1e: {  	_ =	swait.ge [sflag:s15], $0x2800  }
0x1f: {  	[sflag:s15] =	ssyncset.done $0x0  }
0x20: {  	[sflag:s15] =	ssyncadd.s32 $0xFFFFD800  }
0x21: {  	[spmem:s2] =	stream.indirect.scatter.add.f32 [tilespmem:s14], [sflag:$0x2], $0x80, s12, s13, $0xb8;
	[tilespmem:$0x16900] =	vst v63  }
0x22: {  	_ =	swait.ge [sflag:s11], $0x2800  }
0x23: {  	s19 =	simm.s32 $0x14;
	s18 =	simm.s32 $0xA;
	[sflag:s11] =	ssyncset.done $0x0  }
.LBB2_2:
0x24: {  	s20 =	sadd.s32 s18, s9  }
0x25: {  	[sflag:s11] =	ssyncadd.s32 $0xFFFFD800;
	s21 =	smov.u32 s19;
	s22 =	sadd.s32 $0xA, s19  }
0x26: {  	[tilespmem:s3], [sflag:$0x2] =	stream.linear.gather [hbm4b:s20+s3], $0x50, $0x38;
	[tilespmem:$0x16900] =	vst v63  }
0x27: {  	p0 =	sne.s32 s19, $0x4D8;
	_ =	swait.ge [sflag:s11], $0x50  }
0x28: {  	[sflag:s11] =	ssyncset.done $0x0  }
0x29: {  	s19 =	sadd.s32 s18, s8;
	s18 =	smov.u32 s21;
	[sflag:s11] =	ssyncadd.s32 $0xFFFFFFB0  }
0x2a: {  	[tilespmem:s12], [sflag:$0x2] =	stream.linear.gather [hbm4b:s19+s3], $0x50, $0x38;
	[tilespmem:$0x16900] =	vst v63  }
0x2b: {  	_ =	swait.ge [sflag:s11], $0x50  }
0x2c: {  	[sflag:s11] =	ssyncset.done $0x0  }
0x2d: {  	[sflag:s11] =	ssyncadd.s32 $0xFFFFFFB0  }
0x2e: {  	[tilespmem:s14], [sflag:$0x1] =	stream.indirect.gather [hbm4b:s4+s13], $0x80, s3, s13, $0xb8;
	[tilespmem:$0x16900] =	vst v63  }
0x2f: {  	_ =	swait.ge [sflag:s15], $0x2800  }
.Ltmp0:
0x30: {  	[sflag:s15] =	ssyncset.done $0x0;
	(pc) =	sbr.rel @p0 .LBB2_2-.Ltmp0, $4  }
0x31: {  	[sflag:s15] =	ssyncadd.s32 $0xFFFFD800  }
0x32: {  	[spmem:s2] =	stream.indirect.scatter.add.f32 [tilespmem:s14], [sflag:$0x2], $0x80, s12, s13, $0xb8;
	[tilespmem:$0x16900] =	vst v63  }
0x33: {  	_ =	swait.ge [sflag:s11], $0x2800  }
0x34: {  	s19 =	smov.u32 s22;
	[sflag:s11] =	ssyncset.done $0x0  }
0x35: {  	s19 =	sadd.s32 s18, s9;
	[sflag:s11] =	ssyncadd.s32 $0xFFFFD800  }
0x36: {  	[tilespmem:s3], [sflag:$0x2] =	stream.linear.gather [hbm4b:s19+s3], $0x50, $0x38;
	[tilespmem:$0x16900] =	vst v63  }
0x37: {  	_ =	swait.ge [sflag:s11], $0x50  }
0x38: {  	[sflag:s11] =	ssyncset.done $0x0  }
0x39: {  	s31 =	sadd.s32 s18, s8;
	[sflag:s11] =	ssyncadd.s32 $0xFFFFFFB0  }
0x3a: {  	[tilespmem:s12], [sflag:$0x2] =	stream.linear.gather [hbm4b:s31+s3], $0x50, $0x38;
	[tilespmem:$0x16900] =	vst v63  }
0x3b: {  	_ =	swait.ge [sflag:s11], $0x50  }
0x3c: {  	[sflag:s11] =	ssyncset.done $0x0  }
0x3d: {  	[sflag:s11] =	ssyncadd.s32 $0xFFFFFFB0  }
0x3e: {  	[tilespmem:s14], [sflag:$0x1] =	stream.indirect.gather [hbm4b:s4+s13], $0x80, s3, s13, $0xb8;
	[tilespmem:$0x16900] =	vst v63  }
0x3f: {  	_ =	swait.ge [sflag:s15], $0x2800  }
0x40: {  	[sflag:s15] =	ssyncset.done $0x0  }
0x41: {  	[sflag:s15] =	ssyncadd.s32 $0xFFFFD800  }
0x42: {  	[spmem:s2] =	stream.indirect.scatter.add.f32 [tilespmem:s14], [sflag:$0x2], $0x80, s12, s13, $0xb8;
	[tilespmem:$0x16900] =	vst v63  }
0x43: {  	_ =	swait.ge [sflag:s11], $0x2800  }
0x44: {  	s17 =	sadd.s32 $0x1, s17;
	[sflag:s11] =	ssyncset.done $0x0  }
0x45: {  	p0 =	sne.s32 s17, s5;
	[sflag:s11] =	ssyncadd.s32 $0xFFFFD800  }
.Ltmp1:
0x46: {  	[bflag:$0x0] =	sbarrier.arrive $0xFFFF;
	(pc) =	sbr.rel @p0 .LBB2_1-.Ltmp1, $4  }
0x47: {  	[hbm:s16], [sflag:s7] =	dma.local [spmem:s10], $0x2800  }
0x48: {  	_ =	swait.ge [sflag:s11], $0x2800  }
0x49: {  	[sflag:s11] =	ssyncset.done $0x0  }
0x4a: {  	[sflag:s11] =	ssyncadd.s32 $0xFFFFD800  }
0x4b: {  	_ =	sfence.sel $0x180000  }
0x4c: {  	[bflag:$0x0] =	sbarrier.arrive $0xFFFF  }
0x4d: {  	p0 =	sne.s32 s0, $0x0;
	_ =	strace $0x90000047  }
0x4e: {  	s0 =	sadd.s32 @!p0 $0x100000, s1;
	[bflag:$0x2] =	sbarrier.arrive $0xFFFF  }
0x4f: {  	[sflag:s0] =	ssyncadd.tile.s32 @!p0 $0x1;
	_ =	shalt  }
.Lfunc_end2:
_tile_overlayer_lowered:
.L_overlay_start_2:
0x50: {  	(tag) =	ssettag $0x2  }
0x51: {  	s0 =	rddreg [dreg:$0x0];
	s2 =	stileid.u32  }
0x52: {  	s1 =	rddreg [dreg:$0x1];
	p0 =	sne.s32 s2, $0x0  }
0x53: {  	s3 =	rddreg [dreg:$0x2];
	[bflag:$0x3] =	sbarrier.arrive $0xFFFF;
	s2 =	simm.s32 @!p0 $0x1C02  }
0x54: {  	[timem:s3], [sflag:s2] =	dma.local @!p0 [hbm:s0], s1  }
0x55: {  	s0 =	simm.s32 @!p0 $0x2  }
0x56: {  	_ =	swait.ge @!p0 [sflag:s0], s1  }
0x57: {  	s1 =	ssub.s32 @!p0 $0x0, s1;
	[sflag:s0] =	ssyncset.done @!p0 $0x0  }
0x58: {  	[sflag:s0] =	ssyncadd.s32 @!p0 s1  }
0x59: {  	[bflag:$0x3] =	sbarrier.arrive $0xFFFF  }
0x5a: {  	_ =	shalt  }

// kernel: kernel.19.cloned.1.call-start
scs
__scs_entry_jumppad:
0x0: {  	(pc) =	sbr.rel $0x88, $3  }
0x1: {  	(tag) =	ssettag $0x0;
	lr =	simm.s32 $0x1  }
0x2: {  	[smem:$0x3F68] =	sst lr;
	_ =	strace $0xD0000000  }
0x3: {  	_ = 	snop  }
0x4: {  	_ = 	snop  }
0x5: {  	_ = 	snop  }
0x6: {  	_ = 	snop  }
0x7: {  	_ = 	snop  }
__scs_overlays_trampoline_lowered:
0x8: {  	[smem:$0x3F77] =	sst s0  }
0x9: {  	[smem:$0x3F78] =	sst s1  }
0xa: {  	[smem:$0x3F79] =	sst s2  }
0xb: {  	[smem:$0x3F7A] =	sst s3  }
0xc: {  	[smem:$0x3F7B] =	sst s4  }
0xd: {  	[smem:$0x3F7C] =	sst s5  }
0xe: {  	[smem:$0x3F7D] =	sst s6  }
0xf: {  	[smem:$0x3F7E] =	sst s7  }
0x10: {  	[smem:$0x3F7F] =	sst s8  }
0x11: {  	[smem:$0x3F80] =	sst s9;
	s0 =	simm.s32 @!p0 $0x0  }
0x12: {  	s1 =	sld [smem:$0x3F66];
	s0 =	simm.s32 @p0 $0x1  }
0x13: {  	[smem:$0x3F81] =	sst s0;
	s0 =	simm.s32 @!p1 $0x0  }
0x14: {  	s2 =	sld [smem:$0x3F65];
	s0 =	simm.s32 @p1 $0x1  }
0x15: {  	[smem:$0x3F82] =	sst s0;
	s0 =	simm.s32 @!p2 $0x0  }
0x16: {  	s3 =	sld [smem:$0x3FDB];
	s0 =	simm.s32 @p2 $0x1  }
0x17: {  	s4 =	simm.s32 $0x1BF5;
	[smem:$0x3F84] =	sst s0  }
0x18: {  	s0 =	sld [smem:$0x3F67];
	_ =	swait.ge [sflag:s4], $0x0  }
0x19: {  	s7 =	sld [smem:$0x3F68]  }
0x1a: {  	s8 =	sadd.s32 $0xFFFFE003, lr  }
0x1b: {  	s9 =	sadd.s32 $0xFFFFFEF7, lr;
	s5 =	simm.s32 $0xFFFFFFFF;
	p2 =	slt.u32 s8, $0xFFFFF086  }
0x1c: {  	p1 =	slt.u32 s9, $0xF7A;
	s5 =	simm.s32 @!p2 $0x0  }
0x1d: {  	s5 =	simm.s32 @p1 $0x1;
	p0 =	seq.s32 s7, s2  }
0x1e: {  	s7 =	smul.u32 @!p0 $0xF7A, s2;
	p2 =	seq.s32 @!p0 s5, $0x0  }
0x1f: {  	s9 =	smul.u32 $0xF7A, s1;
	s8 =	simm.s32 @!p0 $0x1BF5;
	p2 =	por !p2, p0  }
0x20: {  	[sflag:s8] =	ssyncset.s32 @!p0 $0xFFFFF086;
	s6 =	sadd.s32 @!p0 s3, s7;
	s7 =	simm.s32 @!p0 $0x108  }
0x21: {  	s3 =	sadd.s32 s3, s9;
	s6 =	sadd.s32 @!p0 $0x88, s6;
	s7 =	simm.s32 @p2 $0x1082  }
0x22: {  	[simem:s7], [sflag:s8] =	dma.local @!p0 [hbm:s6], $0xF7A  }
0x23: {  	s9 =	sor.u32 $0xD0000000, s2;
	s6 =	simm.s32 $0x108;
	_ =	swait.ge @!p0 [sflag:s8], $0x0  }
0x24: {  	s3 =	sadd.s32 $0x88, s3;
	s6 =	simm.s32 @!p1 $0x1082;
	[sflag:s4] =	ssyncset.s32 $0xFFFFF086  }
0x25: {  	[simem:s6], [sflag:s4] =	dma.local [hbm:s3], $0xF7A  }
0x26: {  	[smem:$0x3F68] =	sst s1;
	(tag) =	ssettag s2;
	_ =	strace s9  }
0x27: {  	s1 =	sld [smem:$0x3F78]  }
0x28: {  	s2 =	sld [smem:$0x3F79]  }
0x29: {  	s4 =	sld [smem:$0x3F7B]  }
0x2a: {  	p0 =	seq.s32 s5, $0x0;
	s5 =	sld [smem:$0x3F7C]  }
0x2b: {  	s6 =	sld [smem:$0x3F7D]  }
0x2c: {  	s7 =	sld [smem:$0x3F7E]  }
0x2d: {  	s3 =	simm.s32 $0x108;
	s8 =	sld [smem:$0x3F7F]  }
0x2e: {  	s3 =	simm.s32 @!p0 $0x1082;
	s9 =	sld [smem:$0x3F80]  }
0x2f: {  	lr =	sadd.s32 s0, s3;
	s0 =	sld [smem:$0x3F77]  }
0x30: {  	s3 =	sld [smem:$0x3F7A]  }
0x31: {  	[smem:$0x3F83] =	sst s10  }
0x32: {  	s10 =	sld [smem:$0x3F81];
	_ =	sdelay $0x3  }
0x33: {  	p0 =	seq.s32 s10, $0x1;
	s10 =	sld [smem:$0x3F83];
	_ =	sdelay $0x3  }
0x34: {  	[smem:$0x3F83] =	sst s10  }
0x35: {  	s10 =	sld [smem:$0x3F82];
	_ =	sdelay $0x3  }
0x36: {  	p1 =	seq.s32 s10, $0x1;
	s10 =	sld [smem:$0x3F83];
	_ =	sdelay $0x3  }
0x37: {  	[smem:$0x3F83] =	sst s10  }
0x38: {  	s10 =	sld [smem:$0x3F84]  }
0x39: {  	_ = 	snop;
	(pc) =	sbr.ind lr, $3  }
0x3a: {  	_ = 	snop  }
0x3b: {  	_ = 	snop  }
0x3c: {  	p2 =	seq.s32 s10, $0x1;
	s10 =	sld [smem:$0x3F83]  }
0x3d: {  	_ =	shalt  }
0x3e: {  	_ =	shalt  }
0x3f: {  	_ =	shalt  }
0x40: {  	_ =	shalt  }
0x41: {  	_ =	shalt  }
0x42: {  	_ =	shalt  }
0x43: {  	_ =	shalt  }
0x44: {  	_ =	shalt  }
0x45: {  	_ =	shalt  }
0x46: {  	_ =	shalt  }
0x47: {  	_ =	shalt  }
0x48: {  	_ =	shalt  }
0x49: {  	_ =	shalt  }
0x4a: {  	_ =	shalt  }
0x4b: {  	_ =	shalt  }
0x4c: {  	_ =	shalt  }
0x4d: {  	_ =	shalt  }
0x4e: {  	_ =	shalt  }
0x4f: {  	_ =	shalt  }
0x50: {  	_ =	shalt  }
0x51: {  	_ =	shalt  }
0x52: {  	_ =	shalt  }
0x53: {  	_ =	shalt  }
0x54: {  	_ =	shalt  }
0x55: {  	_ =	shalt  }
0x56: {  	_ =	shalt  }
0x57: {  	_ =	shalt  }
0x58: {  	_ =	shalt  }
0x59: {  	_ =	shalt  }
0x5a: {  	_ =	shalt  }
0x5b: {  	_ =	shalt  }
0x5c: {  	_ =	shalt  }
0x5d: {  	_ =	shalt  }
0x5e: {  	_ =	shalt  }
0x5f: {  	_ =	shalt  }
0x60: {  	_ =	shalt  }
0x61: {  	_ =	shalt  }
0x62: {  	_ =	shalt  }
0x63: {  	_ =	shalt  }
0x64: {  	_ =	shalt  }
0x65: {  	_ =	shalt  }
0x66: {  	_ =	shalt  }
0x67: {  	_ =	shalt  }
0x68: {  	_ =	shalt  }
0x69: {  	_ =	shalt  }
0x6a: {  	_ =	shalt  }
0x6b: {  	_ =	shalt  }
0x6c: {  	_ =	shalt  }
0x6d: {  	_ =	shalt  }
0x6e: {  	_ =	shalt  }
0x6f: {  	_ =	shalt  }
0x70: {  	_ =	shalt  }
0x71: {  	_ =	shalt  }
0x72: {  	_ =	shalt  }
0x73: {  	_ =	shalt  }
0x74: {  	_ =	shalt  }
0x75: {  	_ =	shalt  }
0x76: {  	_ =	shalt  }
0x77: {  	_ =	shalt  }
0x78: {  	_ =	shalt  }
0x79: {  	_ =	shalt  }
0x7a: {  	_ =	shalt  }
0x7b: {  	_ =	shalt  }
0x7c: {  	_ =	shalt  }
0x7d: {  	_ =	shalt  }
0x7e: {  	_ =	shalt  }
0x7f: {  	_ =	shalt  }
0x80: {  	_ =	shalt  }
0x81: {  	_ =	shalt  }
0x82: {  	_ =	shalt  }
0x83: {  	_ =	shalt  }
0x84: {  	_ =	shalt  }
0x85: {  	_ =	shalt  }
0x86: {  	_ =	shalt  }
0x87: {  	_ =	shalt  }
.Lfunc_end0:
.L_simem_size_0:
called_computation.1_lowered:
.L_overlay_start_0:
0x88: {  	s2 =	sld [smem:$0x3FD9]  }
0x89: {  	s3 =	sld [smem:$0x3FFE];
	_ =	sdelay $0x1  }
0x8a: {  	s1 =	srdreg.scid  }
0x8b: {  	s0 =	sand.u32 $0x1, s1  }
0x8c: {  	s16 =	sshll.u32 s0, $0xA;
	s2 =	sadd.s32 s3, s2  }
0x8d: {  	s2 =	sadd.s32 s2, s16  }
0x8e: {  	[smem:$0x3F8F] =	sst s2  }
0x8f: {  	_ = 	snop  }
0x90: {  	(tm) =	ssettm $0x1  }
0x91: {  	s17 =	sld [smem:$0x3FFB];
	_ =	sdelay $0x3  }
0x92: {  	_ =	strace s17  }
0x93: {  	s2 =	sld [smem:$0x3FFC];
	_ =	sdelay $0x3  }
0x94: {  	_ =	strace s2  }
0x95: {  	s2 =	sld [smem:$0x3FFD];
	_ =	sdelay $0x3  }
0x96: {  	_ =	strace s2  }
0x97: {  	_ =	strace $0x8FFFFFFF  }
0x98: {  	s18 =	sld [smem:$0x3FDB];
	_ =	sdelay $0x1  }
0x99: {  	s19 =	simm.s32 $_scs_section_size  }
0x9a: {  	s4 =	simm.s32 $_size__tile_overlayer_lowered;
	s5 =	simm.s32 $_tile_overlayer_lowered  }
0x9b: {  	s22 =	simm.s32 $0x1BFF;
	s21 =	sshll.u32 s5, $0x1;
	s2 =	sadd.s32 s19, s18  }
0x9c: {  	s6 =	simm.s32 $0x0;
	s20 =	sshll.u32 s4, $0x1;
	s4 =	sadd.s32 s21, s2  }
0x9d: {  	[timem:s6], [sflag:s22] =	dma.local [hbm:s4], s20  }
0x9e: {  	_ =	swait.ge [sflag:s22], s20  }
0x9f: {  	s3 =	ssub.s32 $0x0, s20;
	[sflag:s22] =	ssyncset.done $0x0  }
0xa0: {  	[sflag:s22] =	ssyncadd.s32 s3;
	_ =	sdelay $0x1  }
0xa1: {  	s23 =	simm.s32 $0x1B8B  }
0xa2: {  	_ =	swait.ge [sflag:s23], $0x1  }
0xa3: {  	[sflag:s23] =	ssyncset.done $0x0  }
0xa4: {  	s25 =	simm.s32 $0x1B8E;
	s24 =	sld [smem:$0x3FFE];
	[sflag:s23] =	ssyncadd.s32 $0xFFFFFFFF  }
0xa5: {  	s26 =	simm.s32 $execute0_lowered;
	[smem:$0x3FD2] =	sst s25  }
0xa6: {  	s4 =	sshll.u32 s26, $0x1;
	_ =	strace $0x80000049;
	[dreg:$0x1] =	wrdreg $0xFFFFFFFF  }
0xa7: {  	s28 =	simm.s32 $_size_execute0_lowered;
	s2 =	sadd.s32 s2, s4;
	[dreg:$0x0] =	wrdreg $0x0  }
0xa8: {  	s4 =	sshll.u32 s28, $0x1;
	[dreg:$0x2] =	wrdreg s2  }
0xa9: {  	[dreg:$0x3] =	wrdreg s4  }
0xaa: {  	[dreg:$0x4] =	wrdreg $0xC0  }
0xab: {  	_ =	task [dreg:s6], $0x5FFFF  }
0xac: {  	[dreg:$0x1] =	wrdreg $0xFFFFFFFF  }
0xad: {  	[dreg:$0x0] =	wrdreg $0x60  }
0xae: {  	[dreg:$0x2] =	wrdreg s24  }
0xaf: {  	[dreg:$0x3] =	wrdreg $0x29000  }
0xb0: {  	[dreg:$0x4] =	wrdreg $0x9  }
0xb1: {  	_ =	task.clear_ibuf [dreg:s6], $0x5FFFF;
	_ =	strace $0x90000049  }
0xb2: {  	s29 =	simm.s32 $0x9;
	_ =	strace $0x8000004B  }
0xb3: {  	_ =	swait.ge [sflag:s29], $0x1  }
0xb4: {  	[sflag:s29] =	ssyncadd.s32 $0xFFFFFFFF  }
0xb5: {  	_ =	strace $0x9000004B  }
0xb6: {  	_ =	sfence  }
0xb7: {  	s30 =	sld [smem:$0x0];
	_ =	sdelay $0x2  }
0xb8: {  	s31 =	sshll.u32 s1, $0xD;
	s1 =	sshrl.u32 s1, $0x2  }
0xb9: {  	s3 =	sand.u32 $0x4000, s31;
	s1 =	sadd.s32 s1, s30  }
0xba: {  	s0 =	sor.u32 s3, s0;
	s1 =	sshll.u32 s1, $0x11  }
0xbb: {  	s0 =	sor.u32 s1, s0  }
0xbc: {  	s0 =	sadd.s32 $0x8F2B, s0  }
0xbd: {  	[sflag:s0] =	ssyncadd.remote.s32 $0x1  }
0xbe: {  	_ =	sfence.sel $0xFFFF  }
0xbf: {  	[dreg:$0x0] =	wrdreg $0xFFFFFFFF;
	(pc) =	sbr.abs _section_cstart, $3  }
0xc0: {  	[dreg:$0x1] =	wrdreg $0xFFFFFFFF  }
0xc1: {  	_ =	task.clear_ibuf [dreg:s6], $0x2FFFF;
	_ =	strace $0x9FFFFFFF  }
0xc2: {  	(tm) =	ssettm $0x7FFFFFFF  }
0xc3: {  	_ =	shalt  }
tec
execute0_lowered:
.L_overlay_start_1:
0x0: {  	(tag) =	ssettag $0x1  }
0x1: {  	s5 =	rddreg [dreg:$0x0]  }
0x2: {  	s1 =	srdreg.scid;
	s0 =	stileid.u32  }
0x3: {  	s2 =	rddreg [dreg:$0x1];
	s3 =	simm.s32 $0x0;
	s12 =	simm.s32 $0x80  }
0x4: {  	s13 =	simm.s32 $0x50;
	s14 =	simm.s32 $0x100;
	s4 =	smul.u32 $0x4E20, s0  }
0x5: {  	s6 =	sand.u32 $0x1, s1;
	s1 =	rddreg [dreg:$0x2];
	s10 =	smul.u32 $0x50000, s0  }
0x6: {  	s15 =	simm.s32 $0x1;
	[smem:$0x7FF] =	sst s3;
	s16 =	smul.u32 $0x2800, s0  }
0x7: {  	s11 =	sadd.s32 $0x44800, s5;
	s31 =	sshll.u32 s0, $0x6;
	s7 =	smul.u32 $0x2710, s6  }
0x8: {  	_ =	strace $0x8000004A;
	s8 =	smul.u32 $0x28000, s6;
	s28 =	ssub.s32 $0x2, s6  }
0x9: {  	p0 =	seq.s32 s6, $0x0;
	s29 =	sshrl.u32 s28, $0x1;
	s30 =	sshrl.u32 s10, $0x2  }
0xa: {  	s7 =	sadd.s32 s7, s4;
	s4 =	sadd.s32 $0x1C800, s5;
	s10 =	sadd.s32 s30, s2  }
0xb: {  	s7 =	sshrl.u32 s7, $0x3;
	s11 =	smov.u32 @p0 s4;
	s10 =	sshrl.u32 s10, $0x3  }
0xc: {  	s9 =	sadd.s32 s7, s5;
	s5 =	sadd.s32 s8, s5;
	s7 =	ssub.s32 s28, s29  }
0xd: {  	s6 =	sadd.s32 s11, s16;
	s11 =	simm.s32 $0x2;
	s17 =	sadd.s32 $0x6C800, s5  }
0xe: {  	s5 =	smax.u32 s7, $0x1;
	s7 =	sor.u32 $0x1C02, s31;
	s8 =	sadd.s32 $0x8C00, s9  }
0xf: {  	s9 =	sadd.s32 $0x12A00, s9;
	s16 =	sadd.s32 s16, s17;
	s17 =	simm.s32 $0x0  }
.LBB2_1:
0x10: {  	[spmem:s10], [sflag:s7] =	dma.local [hbm:s6], $0x2800  }
0x11: {  	_ =	swait.ge [sflag:s11], $0x2800  }
0x12: {  	[sflag:s11] =	ssyncset.done $0x0  }
0x13: {  	[sflag:s11] =	ssyncadd.s32 $0xFFFFD800  }
0x14: {  	s18 =	sadd.s32 $0x0, s9;
	[bflag:$0x0] =	sbarrier.arrive $0xFFFF  }
0x15: {  	[tilespmem:s3], [sflag:$0x2] =	stream.linear.gather [hbm4b:s18+s3], $0x50, $0x38;
	[tilespmem:$0x16900] =	vst v63  }
0x16: {  	_ =	swait.ge [sflag:s11], $0x50  }
0x17: {  	[sflag:s11] =	ssyncset.done $0x0  }
0x18: {  	s31 =	sadd.s32 $0x0, s8;
	[sflag:s11] =	ssyncadd.s32 $0xFFFFFFB0  }
0x19: {  	[tilespmem:s12], [sflag:$0x2] =	stream.linear.gather [hbm4b:s31+s3], $0x50, $0x38;
	[tilespmem:$0x16900] =	vst v63  }
0x1a: {  	_ =	swait.ge [sflag:s11], $0x50  }
0x1b: {  	[sflag:s11] =	ssyncset.done $0x0  }
0x1c: {  	[sflag:s11] =	ssyncadd.s32 $0xFFFFFFB0  }
0x1d: {  	[tilespmem:s14], [sflag:$0x1] =	stream.indirect.gather [hbm4b:s4+s13], $0x80, s3, s13, $0xb8;
	[tilespmem:$0x16900] =	vst v63  }
0x1e: {  	_ =	swait.ge [sflag:s15], $0x2800  }
0x1f: {  	[sflag:s15] =	ssyncset.done $0x0  }
0x20: {  	[sflag:s15] =	ssyncadd.s32 $0xFFFFD800  }
0x21: {  	[spmem:s2] =	stream.indirect.scatter.add.f32 [tilespmem:s14], [sflag:$0x2], $0x80, s12, s13, $0xb8;
	[tilespmem:$0x16900] =	vst v63  }
0x22: {  	_ =	swait.ge [sflag:s11], $0x2800  }
0x23: {  	s19 =	simm.s32 $0x14;
	s18 =	simm.s32 $0xA;
	[sflag:s11] =	ssyncset.done $0x0  }
.LBB2_2:
0x24: {  	s20 =	sadd.s32 s18, s9  }
0x25: {  	[sflag:s11] =	ssyncadd.s32 $0xFFFFD800;
	s21 =	smov.u32 s19;
	s22 =	sadd.s32 $0xA, s19  }
0x26: {  	[tilespmem:s3], [sflag:$0x2] =	stream.linear.gather [hbm4b:s20+s3], $0x50, $0x38;
	[tilespmem:$0x16900] =	vst v63  }
0x27: {  	p0 =	sne.s32 s19, $0x4D8;
	_ =	swait.ge [sflag:s11], $0x50  }
0x28: {  	[sflag:s11] =	ssyncset.done $0x0  }
0x29: {  	s19 =	sadd.s32 s18, s8;
	s18 =	smov.u32 s21;
	[sflag:s11] =	ssyncadd.s32 $0xFFFFFFB0  }
0x2a: {  	[tilespmem:s12], [sflag:$0x2] =	stream.linear.gather [hbm4b:s19+s3], $0x50, $0x38;
	[tilespmem:$0x16900] =	vst v63  }
0x2b: {  	_ =	swait.ge [sflag:s11], $0x50  }
0x2c: {  	[sflag:s11] =	ssyncset.done $0x0  }
0x2d: {  	[sflag:s11] =	ssyncadd.s32 $0xFFFFFFB0  }
0x2e: {  	[tilespmem:s14], [sflag:$0x1] =	stream.indirect.gather [hbm4b:s4+s13], $0x80, s3, s13, $0xb8;
	[tilespmem:$0x16900] =	vst v63  }
0x2f: {  	_ =	swait.ge [sflag:s15], $0x2800  }
.Ltmp0:
0x30: {  	[sflag:s15] =	ssyncset.done $0x0;
	(pc) =	sbr.rel @p0 .LBB2_2-.Ltmp0, $4  }
0x31: {  	[sflag:s15] =	ssyncadd.s32 $0xFFFFD800  }
0x32: {  	[spmem:s2] =	stream.indirect.scatter.add.f32 [tilespmem:s14], [sflag:$0x2], $0x80, s12, s13, $0xb8;
	[tilespmem:$0x16900] =	vst v63  }
0x33: {  	_ =	swait.ge [sflag:s11], $0x2800  }
0x34: {  	s19 =	smov.u32 s22;
	[sflag:s11] =	ssyncset.done $0x0  }
0x35: {  	s19 =	sadd.s32 s18, s9;
	[sflag:s11] =	ssyncadd.s32 $0xFFFFD800  }
0x36: {  	[tilespmem:s3], [sflag:$0x2] =	stream.linear.gather [hbm4b:s19+s3], $0x50, $0x38;
	[tilespmem:$0x16900] =	vst v63  }
0x37: {  	_ =	swait.ge [sflag:s11], $0x50  }
0x38: {  	[sflag:s11] =	ssyncset.done $0x0  }
0x39: {  	s31 =	sadd.s32 s18, s8;
	[sflag:s11] =	ssyncadd.s32 $0xFFFFFFB0  }
0x3a: {  	[tilespmem:s12], [sflag:$0x2] =	stream.linear.gather [hbm4b:s31+s3], $0x50, $0x38;
	[tilespmem:$0x16900] =	vst v63  }
0x3b: {  	_ =	swait.ge [sflag:s11], $0x50  }
0x3c: {  	[sflag:s11] =	ssyncset.done $0x0  }
0x3d: {  	[sflag:s11] =	ssyncadd.s32 $0xFFFFFFB0  }
0x3e: {  	[tilespmem:s14], [sflag:$0x1] =	stream.indirect.gather [hbm4b:s4+s13], $0x80, s3, s13, $0xb8;
	[tilespmem:$0x16900] =	vst v63  }
0x3f: {  	_ =	swait.ge [sflag:s15], $0x2800  }
0x40: {  	[sflag:s15] =	ssyncset.done $0x0  }
0x41: {  	[sflag:s15] =	ssyncadd.s32 $0xFFFFD800  }
0x42: {  	[spmem:s2] =	stream.indirect.scatter.add.f32 [tilespmem:s14], [sflag:$0x2], $0x80, s12, s13, $0xb8;
	[tilespmem:$0x16900] =	vst v63  }
0x43: {  	_ =	swait.ge [sflag:s11], $0x2800  }
0x44: {  	s17 =	sadd.s32 $0x1, s17;
	[sflag:s11] =	ssyncset.done $0x0  }
0x45: {  	p0 =	sne.s32 s17, s5;
	[sflag:s11] =	ssyncadd.s32 $0xFFFFD800  }
.Ltmp1:
0x46: {  	[bflag:$0x0] =	sbarrier.arrive $0xFFFF;
	(pc) =	sbr.rel @p0 .LBB2_1-.Ltmp1, $4  }
0x47: {  	[hbm:s16], [sflag:s7] =	dma.local [spmem:s10], $0x2800  }
0x48: {  	_ =	swait.ge [sflag:s11], $0x2800  }
0x49: {  	[sflag:s11] =	ssyncset.done $0x0  }
0x4a: {  	[sflag:s11] =	ssyncadd.s32 $0xFFFFD800  }
0x4b: {  	_ =	sfence.sel $0x180000  }
0x4c: {  	[bflag:$0x0] =	sbarrier.arrive $0xFFFF  }
0x4d: {  	p0 =	sne.s32 s0, $0x0;
	_ =	strace $0x9000004A  }
0x4e: {  	s0 =	sadd.s32 @!p0 $0x100000, s1;
	[bflag:$0x2] =	sbarrier.arrive $0xFFFF  }
0x4f: {  	[sflag:s0] =	ssyncadd.tile.s32 @!p0 $0x1;
	_ =	shalt  }
.Lfunc_end2:
_tile_overlayer_lowered:
.L_overlay_start_2:
0x50: {  	(tag) =	ssettag $0x2  }
0x51: {  	s0 =	rddreg [dreg:$0x0];
	s2 =	stileid.u32  }
0x52: {  	s1 =	rddreg [dreg:$0x1];
	p0 =	sne.s32 s2, $0x0  }
0x53: {  	s3 =	rddreg [dreg:$0x2];
	[bflag:$0x3] =	sbarrier.arrive $0xFFFF;
	s2 =	simm.s32 @!p0 $0x1C02  }
0x54: {  	[timem:s3], [sflag:s2] =	dma.local @!p0 [hbm:s0], s1  }
0x55: {  	s0 =	simm.s32 @!p0 $0x2  }
0x56: {  	_ =	swait.ge @!p0 [sflag:s0], s1  }
0x57: {  	s1 =	ssub.s32 @!p0 $0x0, s1;
	[sflag:s0] =	ssyncset.done @!p0 $0x0  }
0x58: {  	[sflag:s0] =	ssyncadd.s32 @!p0 s1  }
0x59: {  	[bflag:$0x3] =	sbarrier.arrive $0xFFFF  }
0x5a: {  	_ =	shalt  }

// kernel: kernel.22.cloned.1.call-start
scs
__scs_entry_jumppad:
0x0: {  	(pc) =	sbr.rel $0x88, $3  }
0x1: {  	(tag) =	ssettag $0x0;
	lr =	simm.s32 $0x1  }
0x2: {  	[smem:$0x3F68] =	sst lr;
	_ =	strace $0xD0000000  }
0x3: {  	_ = 	snop  }
0x4: {  	_ = 	snop  }
0x5: {  	_ = 	snop  }
0x6: {  	_ = 	snop  }
0x7: {  	_ = 	snop  }
__scs_overlays_trampoline_lowered:
0x8: {  	[smem:$0x3F77] =	sst s0  }
0x9: {  	[smem:$0x3F78] =	sst s1  }
0xa: {  	[smem:$0x3F79] =	sst s2  }
0xb: {  	[smem:$0x3F7A] =	sst s3  }
0xc: {  	[smem:$0x3F7B] =	sst s4  }
0xd: {  	[smem:$0x3F7C] =	sst s5  }
0xe: {  	[smem:$0x3F7D] =	sst s6  }
0xf: {  	[smem:$0x3F7E] =	sst s7  }
0x10: {  	[smem:$0x3F7F] =	sst s8  }
0x11: {  	[smem:$0x3F80] =	sst s9;
	s0 =	simm.s32 @!p0 $0x0  }
0x12: {  	s1 =	sld [smem:$0x3F66];
	s0 =	simm.s32 @p0 $0x1  }
0x13: {  	[smem:$0x3F81] =	sst s0;
	s0 =	simm.s32 @!p1 $0x0  }
0x14: {  	s2 =	sld [smem:$0x3F65];
	s0 =	simm.s32 @p1 $0x1  }
0x15: {  	[smem:$0x3F82] =	sst s0;
	s0 =	simm.s32 @!p2 $0x0  }
0x16: {  	s3 =	sld [smem:$0x3FDB];
	s0 =	simm.s32 @p2 $0x1  }
0x17: {  	s4 =	simm.s32 $0x1BF5;
	[smem:$0x3F84] =	sst s0  }
0x18: {  	s0 =	sld [smem:$0x3F67];
	_ =	swait.ge [sflag:s4], $0x0  }
0x19: {  	s7 =	sld [smem:$0x3F68]  }
0x1a: {  	s8 =	sadd.s32 $0xFFFFE003, lr  }
0x1b: {  	s9 =	sadd.s32 $0xFFFFFEF7, lr;
	s5 =	simm.s32 $0xFFFFFFFF;
	p2 =	slt.u32 s8, $0xFFFFF086  }
0x1c: {  	p1 =	slt.u32 s9, $0xF7A;
	s5 =	simm.s32 @!p2 $0x0  }
0x1d: {  	s5 =	simm.s32 @p1 $0x1;
	p0 =	seq.s32 s7, s2  }
0x1e: {  	s7 =	smul.u32 @!p0 $0xF7A, s2;
	p2 =	seq.s32 @!p0 s5, $0x0  }
0x1f: {  	s9 =	smul.u32 $0xF7A, s1;
	s8 =	simm.s32 @!p0 $0x1BF5;
	p2 =	por !p2, p0  }
0x20: {  	[sflag:s8] =	ssyncset.s32 @!p0 $0xFFFFF086;
	s6 =	sadd.s32 @!p0 s3, s7;
	s7 =	simm.s32 @!p0 $0x108  }
0x21: {  	s3 =	sadd.s32 s3, s9;
	s6 =	sadd.s32 @!p0 $0x88, s6;
	s7 =	simm.s32 @p2 $0x1082  }
0x22: {  	[simem:s7], [sflag:s8] =	dma.local @!p0 [hbm:s6], $0xF7A  }
0x23: {  	s9 =	sor.u32 $0xD0000000, s2;
	s6 =	simm.s32 $0x108;
	_ =	swait.ge @!p0 [sflag:s8], $0x0  }
0x24: {  	s3 =	sadd.s32 $0x88, s3;
	s6 =	simm.s32 @!p1 $0x1082;
	[sflag:s4] =	ssyncset.s32 $0xFFFFF086  }
0x25: {  	[simem:s6], [sflag:s4] =	dma.local [hbm:s3], $0xF7A  }
0x26: {  	[smem:$0x3F68] =	sst s1;
	(tag) =	ssettag s2;
	_ =	strace s9  }
0x27: {  	s1 =	sld [smem:$0x3F78]  }
0x28: {  	s2 =	sld [smem:$0x3F79]  }
0x29: {  	s4 =	sld [smem:$0x3F7B]  }
0x2a: {  	p0 =	seq.s32 s5, $0x0;
	s5 =	sld [smem:$0x3F7C]  }
0x2b: {  	s6 =	sld [smem:$0x3F7D]  }
0x2c: {  	s7 =	sld [smem:$0x3F7E]  }
0x2d: {  	s3 =	simm.s32 $0x108;
	s8 =	sld [smem:$0x3F7F]  }
0x2e: {  	s3 =	simm.s32 @!p0 $0x1082;
	s9 =	sld [smem:$0x3F80]  }
0x2f: {  	lr =	sadd.s32 s0, s3;
	s0 =	sld [smem:$0x3F77]  }
0x30: {  	s3 =	sld [smem:$0x3F7A]  }
0x31: {  	[smem:$0x3F83] =	sst s10  }
0x32: {  	s10 =	sld [smem:$0x3F81];
	_ =	sdelay $0x3  }
0x33: {  	p0 =	seq.s32 s10, $0x1;
	s10 =	sld [smem:$0x3F83];
	_ =	sdelay $0x3  }
0x34: {  	[smem:$0x3F83] =	sst s10  }
0x35: {  	s10 =	sld [smem:$0x3F82];
	_ =	sdelay $0x3  }
0x36: {  	p1 =	seq.s32 s10, $0x1;
	s10 =	sld [smem:$0x3F83];
	_ =	sdelay $0x3  }
0x37: {  	[smem:$0x3F83] =	sst s10  }
0x38: {  	s10 =	sld [smem:$0x3F84]  }
0x39: {  	_ = 	snop;
	(pc) =	sbr.ind lr, $3  }
0x3a: {  	_ = 	snop  }
0x3b: {  	_ = 	snop  }
0x3c: {  	p2 =	seq.s32 s10, $0x1;
	s10 =	sld [smem:$0x3F83]  }
0x3d: {  	_ =	shalt  }
0x3e: {  	_ =	shalt  }
0x3f: {  	_ =	shalt  }
0x40: {  	_ =	shalt  }
0x41: {  	_ =	shalt  }
0x42: {  	_ =	shalt  }
0x43: {  	_ =	shalt  }
0x44: {  	_ =	shalt  }
0x45: {  	_ =	shalt  }
0x46: {  	_ =	shalt  }
0x47: {  	_ =	shalt  }
0x48: {  	_ =	shalt  }
0x49: {  	_ =	shalt  }
0x4a: {  	_ =	shalt  }
0x4b: {  	_ =	shalt  }
0x4c: {  	_ =	shalt  }
0x4d: {  	_ =	shalt  }
0x4e: {  	_ =	shalt  }
0x4f: {  	_ =	shalt  }
0x50: {  	_ =	shalt  }
0x51: {  	_ =	shalt  }
0x52: {  	_ =	shalt  }
0x53: {  	_ =	shalt  }
0x54: {  	_ =	shalt  }
0x55: {  	_ =	shalt  }
0x56: {  	_ =	shalt  }
0x57: {  	_ =	shalt  }
0x58: {  	_ =	shalt  }
0x59: {  	_ =	shalt  }
0x5a: {  	_ =	shalt  }
0x5b: {  	_ =	shalt  }
0x5c: {  	_ =	shalt  }
0x5d: {  	_ =	shalt  }
0x5e: {  	_ =	shalt  }
0x5f: {  	_ =	shalt  }
0x60: {  	_ =	shalt  }
0x61: {  	_ =	shalt  }
0x62: {  	_ =	shalt  }
0x63: {  	_ =	shalt  }
0x64: {  	_ =	shalt  }
0x65: {  	_ =	shalt  }
0x66: {  	_ =	shalt  }
0x67: {  	_ =	shalt  }
0x68: {  	_ =	shalt  }
0x69: {  	_ =	shalt  }
0x6a: {  	_ =	shalt  }
0x6b: {  	_ =	shalt  }
0x6c: {  	_ =	shalt  }
0x6d: {  	_ =	shalt  }
0x6e: {  	_ =	shalt  }
0x6f: {  	_ =	shalt  }
0x70: {  	_ =	shalt  }
0x71: {  	_ =	shalt  }
0x72: {  	_ =	shalt  }
0x73: {  	_ =	shalt  }
0x74: {  	_ =	shalt  }
0x75: {  	_ =	shalt  }
0x76: {  	_ =	shalt  }
0x77: {  	_ =	shalt  }
0x78: {  	_ =	shalt  }
0x79: {  	_ =	shalt  }
0x7a: {  	_ =	shalt  }
0x7b: {  	_ =	shalt  }
0x7c: {  	_ =	shalt  }
0x7d: {  	_ =	shalt  }
0x7e: {  	_ =	shalt  }
0x7f: {  	_ =	shalt  }
0x80: {  	_ =	shalt  }
0x81: {  	_ =	shalt  }
0x82: {  	_ =	shalt  }
0x83: {  	_ =	shalt  }
0x84: {  	_ =	shalt  }
0x85: {  	_ =	shalt  }
0x86: {  	_ =	shalt  }
0x87: {  	_ =	shalt  }
.Lfunc_end0:
.L_simem_size_0:
called_computation.2_lowered:
.L_overlay_start_0:
0x88: {  	s2 =	sld [smem:$0x3FD9]  }
0x89: {  	s3 =	sld [smem:$0x3FFE];
	_ =	sdelay $0x1  }
0x8a: {  	s1 =	srdreg.scid  }
0x8b: {  	s0 =	sand.u32 $0x1, s1  }
0x8c: {  	s16 =	sshll.u32 s0, $0xA;
	s2 =	sadd.s32 s3, s2  }
0x8d: {  	s2 =	sadd.s32 s2, s16  }
0x8e: {  	[smem:$0x3F8F] =	sst s2  }
0x8f: {  	_ = 	snop  }
0x90: {  	(tm) =	ssettm $0x1  }
0x91: {  	s17 =	sld [smem:$0x3FFB];
	_ =	sdelay $0x3  }
0x92: {  	_ =	strace s17  }
0x93: {  	s2 =	sld [smem:$0x3FFC];
	_ =	sdelay $0x3  }
0x94: {  	_ =	strace s2  }
0x95: {  	s2 =	sld [smem:$0x3FFD];
	_ =	sdelay $0x3  }
0x96: {  	_ =	strace s2  }
0x97: {  	_ =	strace $0x8FFFFFFF  }
0x98: {  	s18 =	sld [smem:$0x3FDB];
	_ =	sdelay $0x1  }
0x99: {  	s19 =	simm.s32 $_scs_section_size  }
0x9a: {  	s4 =	simm.s32 $_size__tile_overlayer_lowered;
	s5 =	simm.s32 $_tile_overlayer_lowered  }
0x9b: {  	s22 =	simm.s32 $0x1BFF;
	s21 =	sshll.u32 s5, $0x1;
	s2 =	sadd.s32 s19, s18  }
0x9c: {  	s6 =	simm.s32 $0x0;
	s20 =	sshll.u32 s4, $0x1;
	s4 =	sadd.s32 s21, s2  }
0x9d: {  	[timem:s6], [sflag:s22] =	dma.local [hbm:s4], s20  }
0x9e: {  	_ =	swait.ge [sflag:s22], s20  }
0x9f: {  	s3 =	ssub.s32 $0x0, s20;
	[sflag:s22] =	ssyncset.done $0x0  }
0xa0: {  	[sflag:s22] =	ssyncadd.s32 s3;
	_ =	sdelay $0x1  }
0xa1: {  	s23 =	simm.s32 $0x1B8B  }
0xa2: {  	_ =	swait.ge [sflag:s23], $0x1  }
0xa3: {  	[sflag:s23] =	ssyncset.done $0x0  }
0xa4: {  	s25 =	simm.s32 $0x1B8E;
	s24 =	sld [smem:$0x3FFE];
	[sflag:s23] =	ssyncadd.s32 $0xFFFFFFFF  }
0xa5: {  	s26 =	simm.s32 $execute0_lowered;
	[smem:$0x3FD2] =	sst s25  }
0xa6: {  	s4 =	sshll.u32 s26, $0x1;
	_ =	strace $0x8000004C;
	[dreg:$0x1] =	wrdreg $0xFFFFFFFF  }
0xa7: {  	s28 =	simm.s32 $_size_execute0_lowered;
	s2 =	sadd.s32 s2, s4;
	[dreg:$0x0] =	wrdreg $0x0  }
0xa8: {  	s4 =	sshll.u32 s28, $0x1;
	[dreg:$0x2] =	wrdreg s2  }
0xa9: {  	[dreg:$0x3] =	wrdreg s4  }
0xaa: {  	[dreg:$0x4] =	wrdreg $0xC0  }
0xab: {  	_ =	task [dreg:s6], $0x5FFFF  }
0xac: {  	[dreg:$0x1] =	wrdreg $0xFFFFFFFF  }
0xad: {  	[dreg:$0x0] =	wrdreg $0x60  }
0xae: {  	[dreg:$0x2] =	wrdreg s24  }
0xaf: {  	[dreg:$0x3] =	wrdreg $0x29000  }
0xb0: {  	[dreg:$0x4] =	wrdreg $0x9  }
0xb1: {  	_ =	task.clear_ibuf [dreg:s6], $0x5FFFF;
	_ =	strace $0x9000004C  }
0xb2: {  	s29 =	simm.s32 $0x9;
	_ =	strace $0x8000004E  }
0xb3: {  	_ =	swait.ge [sflag:s29], $0x1  }
0xb4: {  	[sflag:s29] =	ssyncadd.s32 $0xFFFFFFFF  }
0xb5: {  	_ =	strace $0x9000004E  }
0xb6: {  	_ =	sfence  }
0xb7: {  	s30 =	sld [smem:$0x0];
	_ =	sdelay $0x2  }
0xb8: {  	s31 =	sshll.u32 s1, $0xD;
	s1 =	sshrl.u32 s1, $0x2  }
0xb9: {  	s3 =	sand.u32 $0x4000, s31;
	s1 =	sadd.s32 s1, s30  }
0xba: {  	s0 =	sor.u32 s3, s0;
	s1 =	sshll.u32 s1, $0x11  }
0xbb: {  	s0 =	sor.u32 s1, s0  }
0xbc: {  	s0 =	sadd.s32 $0x8F2B, s0  }
0xbd: {  	[sflag:s0] =	ssyncadd.remote.s32 $0x1  }
0xbe: {  	_ =	sfence.sel $0xFFFF  }
0xbf: {  	[dreg:$0x0] =	wrdreg $0xFFFFFFFF;
	(pc) =	sbr.abs _section_cstart, $3  }
0xc0: {  	[dreg:$0x1] =	wrdreg $0xFFFFFFFF  }
0xc1: {  	_ =	task.clear_ibuf [dreg:s6], $0x2FFFF;
	_ =	strace $0x9FFFFFFF  }
0xc2: {  	(tm) =	ssettm $0x7FFFFFFF  }
0xc3: {  	_ =	shalt  }
tec
execute0_lowered:
.L_overlay_start_1:
0x0: {  	(tag) =	ssettag $0x1  }
0x1: {  	s5 =	rddreg [dreg:$0x0]  }
0x2: {  	s1 =	srdreg.scid;
	s0 =	stileid.u32  }
0x3: {  	s2 =	rddreg [dreg:$0x1];
	s3 =	simm.s32 $0x0;
	s12 =	simm.s32 $0x80  }
0x4: {  	s13 =	simm.s32 $0x50;
	s14 =	simm.s32 $0x100;
	s4 =	smul.u32 $0x4E20, s0  }
0x5: {  	s6 =	sand.u32 $0x1, s1;
	s1 =	rddreg [dreg:$0x2];
	s10 =	smul.u32 $0x50000, s0  }
0x6: {  	s15 =	simm.s32 $0x1;
	[smem:$0x7FF] =	sst s3;
	s16 =	smul.u32 $0x2800, s0  }
0x7: {  	s11 =	sadd.s32 $0x44800, s5;
	s31 =	sshll.u32 s0, $0x6;
	s7 =	smul.u32 $0x2710, s6  }
0x8: {  	_ =	strace $0x8000004D;
	s8 =	smul.u32 $0x28000, s6;
	s28 =	ssub.s32 $0x2, s6  }
0x9: {  	p0 =	seq.s32 s6, $0x0;
	s29 =	sshrl.u32 s28, $0x1;
	s30 =	sshrl.u32 s10, $0x2  }
0xa: {  	s7 =	sadd.s32 s7, s4;
	s4 =	sadd.s32 $0x1C800, s5;
	s10 =	sadd.s32 s30, s2  }
0xb: {  	s7 =	sshrl.u32 s7, $0x3;
	s11 =	smov.u32 @p0 s4;
	s10 =	sshrl.u32 s10, $0x3  }
0xc: {  	s9 =	sadd.s32 s7, s5;
	s5 =	sadd.s32 s8, s5;
	s7 =	ssub.s32 s28, s29  }
0xd: {  	s6 =	sadd.s32 s11, s16;
	s11 =	simm.s32 $0x2;
	s17 =	sadd.s32 $0x6C800, s5  }
0xe: {  	s5 =	smax.u32 s7, $0x1;
	s7 =	sor.u32 $0x1C02, s31;
	s8 =	sadd.s32 $0x8C00, s9  }
0xf: {  	s9 =	sadd.s32 $0x12A00, s9;
	s16 =	sadd.s32 s16, s17;
	s17 =	simm.s32 $0x0  }
.LBB2_1:
0x10: {  	[spmem:s10], [sflag:s7] =	dma.local [hbm:s6], $0x2800  }
0x11: {  	_ =	swait.ge [sflag:s11], $0x2800  }
0x12: {  	[sflag:s11] =	ssyncset.done $0x0  }
0x13: {  	[sflag:s11] =	ssyncadd.s32 $0xFFFFD800  }
0x14: {  	s18 =	sadd.s32 $0x0, s9;
	[bflag:$0x0] =	sbarrier.arrive $0xFFFF  }
0x15: {  	[tilespmem:s3], [sflag:$0x2] =	stream.linear.gather [hbm4b:s18+s3], $0x50, $0x38;
	[tilespmem:$0x16900] =	vst v63  }
0x16: {  	_ =	swait.ge [sflag:s11], $0x50  }
0x17: {  	[sflag:s11] =	ssyncset.done $0x0  }
0x18: {  	s31 =	sadd.s32 $0x0, s8;
	[sflag:s11] =	ssyncadd.s32 $0xFFFFFFB0  }
0x19: {  	[tilespmem:s12], [sflag:$0x2] =	stream.linear.gather [hbm4b:s31+s3], $0x50, $0x38;
	[tilespmem:$0x16900] =	vst v63  }
0x1a: {  	_ =	swait.ge [sflag:s11], $0x50  }
0x1b: {  	[sflag:s11] =	ssyncset.done $0x0  }
0x1c: {  	[sflag:s11] =	ssyncadd.s32 $0xFFFFFFB0  }
0x1d: {  	[tilespmem:s14], [sflag:$0x1] =	stream.indirect.gather [hbm4b:s4+s13], $0x80, s3, s13, $0xb8;
	[tilespmem:$0x16900] =	vst v63  }
0x1e: {  	_ =	swait.ge [sflag:s15], $0x2800  }
0x1f: {  	[sflag:s15] =	ssyncset.done $0x0  }
0x20: {  	[sflag:s15] =	ssyncadd.s32 $0xFFFFD800  }
0x21: {  	[spmem:s2] =	stream.indirect.scatter.add.f32 [tilespmem:s14], [sflag:$0x2], $0x80, s12, s13, $0xb8;
	[tilespmem:$0x16900] =	vst v63  }
0x22: {  	_ =	swait.ge [sflag:s11], $0x2800  }
0x23: {  	s19 =	simm.s32 $0x14;
	s18 =	simm.s32 $0xA;
	[sflag:s11] =	ssyncset.done $0x0  }
.LBB2_2:
0x24: {  	s20 =	sadd.s32 s18, s9  }
0x25: {  	[sflag:s11] =	ssyncadd.s32 $0xFFFFD800;
	s21 =	smov.u32 s19;
	s22 =	sadd.s32 $0xA, s19  }
0x26: {  	[tilespmem:s3], [sflag:$0x2] =	stream.linear.gather [hbm4b:s20+s3], $0x50, $0x38;
	[tilespmem:$0x16900] =	vst v63  }
0x27: {  	p0 =	sne.s32 s19, $0x4D8;
	_ =	swait.ge [sflag:s11], $0x50  }
0x28: {  	[sflag:s11] =	ssyncset.done $0x0  }
0x29: {  	s19 =	sadd.s32 s18, s8;
	s18 =	smov.u32 s21;
	[sflag:s11] =	ssyncadd.s32 $0xFFFFFFB0  }
0x2a: {  	[tilespmem:s12], [sflag:$0x2] =	stream.linear.gather [hbm4b:s19+s3], $0x50, $0x38;
	[tilespmem:$0x16900] =	vst v63  }
0x2b: {  	_ =	swait.ge [sflag:s11], $0x50  }
0x2c: {  	[sflag:s11] =	ssyncset.done $0x0  }
0x2d: {  	[sflag:s11] =	ssyncadd.s32 $0xFFFFFFB0  }
0x2e: {  	[tilespmem:s14], [sflag:$0x1] =	stream.indirect.gather [hbm4b:s4+s13], $0x80, s3, s13, $0xb8;
	[tilespmem:$0x16900] =	vst v63  }
0x2f: {  	_ =	swait.ge [sflag:s15], $0x2800  }
.Ltmp0:
0x30: {  	[sflag:s15] =	ssyncset.done $0x0;
	(pc) =	sbr.rel @p0 .LBB2_2-.Ltmp0, $4  }
0x31: {  	[sflag:s15] =	ssyncadd.s32 $0xFFFFD800  }
0x32: {  	[spmem:s2] =	stream.indirect.scatter.add.f32 [tilespmem:s14], [sflag:$0x2], $0x80, s12, s13, $0xb8;
	[tilespmem:$0x16900] =	vst v63  }
0x33: {  	_ =	swait.ge [sflag:s11], $0x2800  }
0x34: {  	s19 =	smov.u32 s22;
	[sflag:s11] =	ssyncset.done $0x0  }
0x35: {  	s19 =	sadd.s32 s18, s9;
	[sflag:s11] =	ssyncadd.s32 $0xFFFFD800  }
0x36: {  	[tilespmem:s3], [sflag:$0x2] =	stream.linear.gather [hbm4b:s19+s3], $0x50, $0x38;
	[tilespmem:$0x16900] =	vst v63  }
0x37: {  	_ =	swait.ge [sflag:s11], $0x50  }
0x38: {  	[sflag:s11] =	ssyncset.done $0x0  }
0x39: {  	s31 =	sadd.s32 s18, s8;
	[sflag:s11] =	ssyncadd.s32 $0xFFFFFFB0  }
0x3a: {  	[tilespmem:s12], [sflag:$0x2] =	stream.linear.gather [hbm4b:s31+s3], $0x50, $0x38;
	[tilespmem:$0x16900] =	vst v63  }
0x3b: {  	_ =	swait.ge [sflag:s11], $0x50  }
0x3c: {  	[sflag:s11] =	ssyncset.done $0x0  }
0x3d: {  	[sflag:s11] =	ssyncadd.s32 $0xFFFFFFB0  }
0x3e: {  	[tilespmem:s14], [sflag:$0x1] =	stream.indirect.gather [hbm4b:s4+s13], $0x80, s3, s13, $0xb8;
	[tilespmem:$0x16900] =	vst v63  }
0x3f: {  	_ =	swait.ge [sflag:s15], $0x2800  }
0x40: {  	[sflag:s15] =	ssyncset.done $0x0  }
0x41: {  	[sflag:s15] =	ssyncadd.s32 $0xFFFFD800  }
0x42: {  	[spmem:s2] =	stream.indirect.scatter.add.f32 [tilespmem:s14], [sflag:$0x2], $0x80, s12, s13, $0xb8;
	[tilespmem:$0x16900] =	vst v63  }
0x43: {  	_ =	swait.ge [sflag:s11], $0x2800  }
0x44: {  	s17 =	sadd.s32 $0x1, s17;
	[sflag:s11] =	ssyncset.done $0x0  }
0x45: {  	p0 =	sne.s32 s17, s5;
	[sflag:s11] =	ssyncadd.s32 $0xFFFFD800  }
.Ltmp1:
0x46: {  	[bflag:$0x0] =	sbarrier.arrive $0xFFFF;
	(pc) =	sbr.rel @p0 .LBB2_1-.Ltmp1, $4  }
0x47: {  	[hbm:s16], [sflag:s7] =	dma.local [spmem:s10], $0x2800  }
0x48: {  	_ =	swait.ge [sflag:s11], $0x2800  }
0x49: {  	[sflag:s11] =	ssyncset.done $0x0  }
0x4a: {  	[sflag:s11] =	ssyncadd.s32 $0xFFFFD800  }
0x4b: {  	_ =	sfence.sel $0x180000  }
0x4c: {  	[bflag:$0x0] =	sbarrier.arrive $0xFFFF  }
0x4d: {  	p0 =	sne.s32 s0, $0x0;
	_ =	strace $0x9000004D  }
0x4e: {  	s0 =	sadd.s32 @!p0 $0x100000, s1;
	[bflag:$0x2] =	sbarrier.arrive $0xFFFF  }
0x4f: {  	[sflag:s0] =	ssyncadd.tile.s32 @!p0 $0x1;
	_ =	shalt  }
.Lfunc_end2:
_tile_overlayer_lowered:
.L_overlay_start_2:
0x50: {  	(tag) =	ssettag $0x2  }
0x51: {  	s0 =	rddreg [dreg:$0x0];
	s2 =	stileid.u32  }
0x52: {  	s1 =	rddreg [dreg:$0x1];
	p0 =	sne.s32 s2, $0x0  }
0x53: {  	s3 =	rddreg [dreg:$0x2];
	[bflag:$0x3] =	sbarrier.arrive $0xFFFF;
	s2 =	simm.s32 @!p0 $0x1C02  }
0x54: {  	[timem:s3], [sflag:s2] =	dma.local @!p0 [hbm:s0], s1  }
0x55: {  	s0 =	simm.s32 @!p0 $0x2  }
0x56: {  	_ =	swait.ge @!p0 [sflag:s0], s1  }
0x57: {  	s1 =	ssub.s32 @!p0 $0x0, s1;
	[sflag:s0] =	ssyncset.done @!p0 $0x0  }
0x58: {  	[sflag:s0] =	ssyncadd.s32 @!p0 s1  }
0x59: {  	[bflag:$0x3] =	sbarrier.arrive $0xFFFF  }
0x5a: {  	_ =	shalt  }

// kernel: kernel.25.cloned.1.call-start
scs
__scs_entry_jumppad:
0x0: {  	(pc) =	sbr.rel $0x88, $3  }
0x1: {  	(tag) =	ssettag $0x0;
	lr =	simm.s32 $0x1  }
0x2: {  	[smem:$0x3F68] =	sst lr;
	_ =	strace $0xD0000000  }
0x3: {  	_ = 	snop  }
0x4: {  	_ = 	snop  }
0x5: {  	_ = 	snop  }
0x6: {  	_ = 	snop  }
0x7: {  	_ = 	snop  }
__scs_overlays_trampoline_lowered:
0x8: {  	[smem:$0x3F77] =	sst s0  }
0x9: {  	[smem:$0x3F78] =	sst s1  }
0xa: {  	[smem:$0x3F79] =	sst s2  }
0xb: {  	[smem:$0x3F7A] =	sst s3  }
0xc: {  	[smem:$0x3F7B] =	sst s4  }
0xd: {  	[smem:$0x3F7C] =	sst s5  }
0xe: {  	[smem:$0x3F7D] =	sst s6  }
0xf: {  	[smem:$0x3F7E] =	sst s7  }
0x10: {  	[smem:$0x3F7F] =	sst s8  }
0x11: {  	[smem:$0x3F80] =	sst s9;
	s0 =	simm.s32 @!p0 $0x0  }
0x12: {  	s1 =	sld [smem:$0x3F66];
	s0 =	simm.s32 @p0 $0x1  }
0x13: {  	[smem:$0x3F81] =	sst s0;
	s0 =	simm.s32 @!p1 $0x0  }
0x14: {  	s2 =	sld [smem:$0x3F65];
	s0 =	simm.s32 @p1 $0x1  }
0x15: {  	[smem:$0x3F82] =	sst s0;
	s0 =	simm.s32 @!p2 $0x0  }
0x16: {  	s3 =	sld [smem:$0x3FDB];
	s0 =	simm.s32 @p2 $0x1  }
0x17: {  	s4 =	simm.s32 $0x1BF5;
	[smem:$0x3F84] =	sst s0  }
0x18: {  	s0 =	sld [smem:$0x3F67];
	_ =	swait.ge [sflag:s4], $0x0  }
0x19: {  	s7 =	sld [smem:$0x3F68]  }
0x1a: {  	s8 =	sadd.s32 $0xFFFFE003, lr  }
0x1b: {  	s9 =	sadd.s32 $0xFFFFFEF7, lr;
	s5 =	simm.s32 $0xFFFFFFFF;
	p2 =	slt.u32 s8, $0xFFFFF086  }
0x1c: {  	p1 =	slt.u32 s9, $0xF7A;
	s5 =	simm.s32 @!p2 $0x0  }
0x1d: {  	s5 =	simm.s32 @p1 $0x1;
	p0 =	seq.s32 s7, s2  }
0x1e: {  	s7 =	smul.u32 @!p0 $0xF7A, s2;
	p2 =	seq.s32 @!p0 s5, $0x0  }
0x1f: {  	s9 =	smul.u32 $0xF7A, s1;
	s8 =	simm.s32 @!p0 $0x1BF5;
	p2 =	por !p2, p0  }
0x20: {  	[sflag:s8] =	ssyncset.s32 @!p0 $0xFFFFF086;
	s6 =	sadd.s32 @!p0 s3, s7;
	s7 =	simm.s32 @!p0 $0x108  }
0x21: {  	s3 =	sadd.s32 s3, s9;
	s6 =	sadd.s32 @!p0 $0x88, s6;
	s7 =	simm.s32 @p2 $0x1082  }
0x22: {  	[simem:s7], [sflag:s8] =	dma.local @!p0 [hbm:s6], $0xF7A  }
0x23: {  	s9 =	sor.u32 $0xD0000000, s2;
	s6 =	simm.s32 $0x108;
	_ =	swait.ge @!p0 [sflag:s8], $0x0  }
0x24: {  	s3 =	sadd.s32 $0x88, s3;
	s6 =	simm.s32 @!p1 $0x1082;
	[sflag:s4] =	ssyncset.s32 $0xFFFFF086  }
0x25: {  	[simem:s6], [sflag:s4] =	dma.local [hbm:s3], $0xF7A  }
0x26: {  	[smem:$0x3F68] =	sst s1;
	(tag) =	ssettag s2;
	_ =	strace s9  }
0x27: {  	s1 =	sld [smem:$0x3F78]  }
0x28: {  	s2 =	sld [smem:$0x3F79]  }
0x29: {  	s4 =	sld [smem:$0x3F7B]  }
0x2a: {  	p0 =	seq.s32 s5, $0x0;
	s5 =	sld [smem:$0x3F7C]  }
0x2b: {  	s6 =	sld [smem:$0x3F7D]  }
0x2c: {  	s7 =	sld [smem:$0x3F7E]  }
0x2d: {  	s3 =	simm.s32 $0x108;
	s8 =	sld [smem:$0x3F7F]  }
0x2e: {  	s3 =	simm.s32 @!p0 $0x1082;
	s9 =	sld [smem:$0x3F80]  }
0x2f: {  	lr =	sadd.s32 s0, s3;
	s0 =	sld [smem:$0x3F77]  }
0x30: {  	s3 =	sld [smem:$0x3F7A]  }
0x31: {  	[smem:$0x3F83] =	sst s10  }
0x32: {  	s10 =	sld [smem:$0x3F81];
	_ =	sdelay $0x3  }
0x33: {  	p0 =	seq.s32 s10, $0x1;
	s10 =	sld [smem:$0x3F83];
	_ =	sdelay $0x3  }
0x34: {  	[smem:$0x3F83] =	sst s10  }
0x35: {  	s10 =	sld [smem:$0x3F82];
	_ =	sdelay $0x3  }
0x36: {  	p1 =	seq.s32 s10, $0x1;
	s10 =	sld [smem:$0x3F83];
	_ =	sdelay $0x3  }
0x37: {  	[smem:$0x3F83] =	sst s10  }
0x38: {  	s10 =	sld [smem:$0x3F84]  }
0x39: {  	_ = 	snop;
	(pc) =	sbr.ind lr, $3  }
0x3a: {  	_ = 	snop  }
0x3b: {  	_ = 	snop  }
0x3c: {  	p2 =	seq.s32 s10, $0x1;
	s10 =	sld [smem:$0x3F83]  }
0x3d: {  	_ =	shalt  }
0x3e: {  	_ =	shalt  }
0x3f: {  	_ =	shalt  }
0x40: {  	_ =	shalt  }
0x41: {  	_ =	shalt  }
0x42: {  	_ =	shalt  }
0x43: {  	_ =	shalt  }
0x44: {  	_ =	shalt  }
0x45: {  	_ =	shalt  }
0x46: {  	_ =	shalt  }
0x47: {  	_ =	shalt  }
0x48: {  	_ =	shalt  }
0x49: {  	_ =	shalt  }
0x4a: {  	_ =	shalt  }
0x4b: {  	_ =	shalt  }
0x4c: {  	_ =	shalt  }
0x4d: {  	_ =	shalt  }
0x4e: {  	_ =	shalt  }
0x4f: {  	_ =	shalt  }
0x50: {  	_ =	shalt  }
0x51: {  	_ =	shalt  }
0x52: {  	_ =	shalt  }
0x53: {  	_ =	shalt  }
0x54: {  	_ =	shalt  }
0x55: {  	_ =	shalt  }
0x56: {  	_ =	shalt  }
0x57: {  	_ =	shalt  }
0x58: {  	_ =	shalt  }
0x59: {  	_ =	shalt  }
0x5a: {  	_ =	shalt  }
0x5b: {  	_ =	shalt  }
0x5c: {  	_ =	shalt  }
0x5d: {  	_ =	shalt  }
0x5e: {  	_ =	shalt  }
0x5f: {  	_ =	shalt  }
0x60: {  	_ =	shalt  }
0x61: {  	_ =	shalt  }
0x62: {  	_ =	shalt  }
0x63: {  	_ =	shalt  }
0x64: {  	_ =	shalt  }
0x65: {  	_ =	shalt  }
0x66: {  	_ =	shalt  }
0x67: {  	_ =	shalt  }
0x68: {  	_ =	shalt  }
0x69: {  	_ =	shalt  }
0x6a: {  	_ =	shalt  }
0x6b: {  	_ =	shalt  }
0x6c: {  	_ =	shalt  }
0x6d: {  	_ =	shalt  }
0x6e: {  	_ =	shalt  }
0x6f: {  	_ =	shalt  }
0x70: {  	_ =	shalt  }
0x71: {  	_ =	shalt  }
0x72: {  	_ =	shalt  }
0x73: {  	_ =	shalt  }
0x74: {  	_ =	shalt  }
0x75: {  	_ =	shalt  }
0x76: {  	_ =	shalt  }
0x77: {  	_ =	shalt  }
0x78: {  	_ =	shalt  }
0x79: {  	_ =	shalt  }
0x7a: {  	_ =	shalt  }
0x7b: {  	_ =	shalt  }
0x7c: {  	_ =	shalt  }
0x7d: {  	_ =	shalt  }
0x7e: {  	_ =	shalt  }
0x7f: {  	_ =	shalt  }
0x80: {  	_ =	shalt  }
0x81: {  	_ =	shalt  }
0x82: {  	_ =	shalt  }
0x83: {  	_ =	shalt  }
0x84: {  	_ =	shalt  }
0x85: {  	_ =	shalt  }
0x86: {  	_ =	shalt  }
0x87: {  	_ =	shalt  }
.Lfunc_end0:
.L_simem_size_0:
called_computation.3_lowered:
.L_overlay_start_0:
0x88: {  	s2 =	sld [smem:$0x3FD9]  }
0x89: {  	s3 =	sld [smem:$0x3FFE];
	_ =	sdelay $0x1  }
0x8a: {  	s1 =	srdreg.scid  }
0x8b: {  	s0 =	sand.u32 $0x1, s1  }
0x8c: {  	s16 =	sshll.u32 s0, $0xA;
	s2 =	sadd.s32 s3, s2  }
0x8d: {  	s2 =	sadd.s32 s2, s16  }
0x8e: {  	[smem:$0x3F8F] =	sst s2  }
0x8f: {  	_ = 	snop  }
0x90: {  	(tm) =	ssettm $0x1  }
0x91: {  	s17 =	sld [smem:$0x3FFB];
	_ =	sdelay $0x3  }
0x92: {  	_ =	strace s17  }
0x93: {  	s2 =	sld [smem:$0x3FFC];
	_ =	sdelay $0x3  }
0x94: {  	_ =	strace s2  }
0x95: {  	s2 =	sld [smem:$0x3FFD];
	_ =	sdelay $0x3  }
0x96: {  	_ =	strace s2  }
0x97: {  	_ =	strace $0x8FFFFFFF  }
0x98: {  	s18 =	sld [smem:$0x3FDB];
	_ =	sdelay $0x1  }
0x99: {  	s19 =	simm.s32 $_scs_section_size  }
0x9a: {  	s4 =	simm.s32 $_size__tile_overlayer_lowered;
	s5 =	simm.s32 $_tile_overlayer_lowered  }
0x9b: {  	s22 =	simm.s32 $0x1BFF;
	s21 =	sshll.u32 s5, $0x1;
	s2 =	sadd.s32 s19, s18  }
0x9c: {  	s6 =	simm.s32 $0x0;
	s20 =	sshll.u32 s4, $0x1;
	s4 =	sadd.s32 s21, s2  }
0x9d: {  	[timem:s6], [sflag:s22] =	dma.local [hbm:s4], s20  }
0x9e: {  	_ =	swait.ge [sflag:s22], s20  }
0x9f: {  	s3 =	ssub.s32 $0x0, s20;
	[sflag:s22] =	ssyncset.done $0x0  }
0xa0: {  	[sflag:s22] =	ssyncadd.s32 s3;
	_ =	sdelay $0x1  }
0xa1: {  	s23 =	simm.s32 $0x1B8B  }
0xa2: {  	_ =	swait.ge [sflag:s23], $0x1  }
0xa3: {  	[sflag:s23] =	ssyncset.done $0x0  }
0xa4: {  	s25 =	simm.s32 $0x1B8E;
	s24 =	sld [smem:$0x3FFE];
	[sflag:s23] =	ssyncadd.s32 $0xFFFFFFFF  }
0xa5: {  	s26 =	simm.s32 $execute0_lowered;
	[smem:$0x3FD2] =	sst s25  }
0xa6: {  	s4 =	sshll.u32 s26, $0x1;
	_ =	strace $0x8000004F;
	[dreg:$0x1] =	wrdreg $0xFFFFFFFF  }
0xa7: {  	s28 =	simm.s32 $_size_execute0_lowered;
	s2 =	sadd.s32 s2, s4;
	[dreg:$0x0] =	wrdreg $0x0  }
0xa8: {  	s4 =	sshll.u32 s28, $0x1;
	[dreg:$0x2] =	wrdreg s2  }
0xa9: {  	[dreg:$0x3] =	wrdreg s4  }
0xaa: {  	[dreg:$0x4] =	wrdreg $0xC0  }
0xab: {  	_ =	task [dreg:s6], $0x5FFFF  }
0xac: {  	[dreg:$0x1] =	wrdreg $0xFFFFFFFF  }
0xad: {  	[dreg:$0x0] =	wrdreg $0x60  }
0xae: {  	[dreg:$0x2] =	wrdreg s24  }
0xaf: {  	[dreg:$0x3] =	wrdreg $0x29000  }
0xb0: {  	[dreg:$0x4] =	wrdreg $0x9  }
0xb1: {  	_ =	task.clear_ibuf [dreg:s6], $0x5FFFF;
	_ =	strace $0x9000004F  }
0xb2: {  	s29 =	simm.s32 $0x9;
	_ =	strace $0x80000051  }
0xb3: {  	_ =	swait.ge [sflag:s29], $0x1  }
0xb4: {  	[sflag:s29] =	ssyncadd.s32 $0xFFFFFFFF  }
0xb5: {  	_ =	strace $0x90000051  }
0xb6: {  	_ =	sfence  }
0xb7: {  	s30 =	sld [smem:$0x0];
	_ =	sdelay $0x2  }
0xb8: {  	s31 =	sshll.u32 s1, $0xD;
	s1 =	sshrl.u32 s1, $0x2  }
0xb9: {  	s3 =	sand.u32 $0x4000, s31;
	s1 =	sadd.s32 s1, s30  }
0xba: {  	s0 =	sor.u32 s3, s0;
	s1 =	sshll.u32 s1, $0x11  }
0xbb: {  	s0 =	sor.u32 s1, s0  }
0xbc: {  	s0 =	sadd.s32 $0x8F2B, s0  }
0xbd: {  	[sflag:s0] =	ssyncadd.remote.s32 $0x1  }
0xbe: {  	_ =	sfence.sel $0xFFFF  }
0xbf: {  	[dreg:$0x0] =	wrdreg $0xFFFFFFFF;
	(pc) =	sbr.abs _section_cstart, $3  }
0xc0: {  	[dreg:$0x1] =	wrdreg $0xFFFFFFFF  }
0xc1: {  	_ =	task.clear_ibuf [dreg:s6], $0x2FFFF;
	_ =	strace $0x9FFFFFFF  }
0xc2: {  	(tm) =	ssettm $0x7FFFFFFF  }
0xc3: {  	_ =	shalt  }
tec
execute0_lowered:
.L_overlay_start_1:
0x0: {  	(tag) =	ssettag $0x1  }
0x1: {  	s5 =	rddreg [dreg:$0x0]  }
0x2: {  	s1 =	srdreg.scid;
	s0 =	stileid.u32  }
0x3: {  	s2 =	rddreg [dreg:$0x1];
	s3 =	simm.s32 $0x0;
	s12 =	simm.s32 $0x80  }
0x4: {  	s13 =	simm.s32 $0x50;
	s14 =	simm.s32 $0x100;
	s4 =	smul.u32 $0x4E20, s0  }
0x5: {  	s6 =	sand.u32 $0x1, s1;
	s1 =	rddreg [dreg:$0x2];
	s10 =	smul.u32 $0x50000, s0  }
0x6: {  	s15 =	simm.s32 $0x1;
	[smem:$0x7FF] =	sst s3;
	s16 =	smul.u32 $0x2800, s0  }
0x7: {  	s11 =	sadd.s32 $0x44800, s5;
	s31 =	sshll.u32 s0, $0x6;
	s7 =	smul.u32 $0x2710, s6  }
0x8: {  	_ =	strace $0x80000050;
	s8 =	smul.u32 $0x28000, s6;
	s28 =	ssub.s32 $0x2, s6  }
0x9: {  	p0 =	seq.s32 s6, $0x0;
	s29 =	sshrl.u32 s28, $0x1;
	s30 =	sshrl.u32 s10, $0x2  }
0xa: {  	s7 =	sadd.s32 s7, s4;
	s4 =	sadd.s32 $0x1C800, s5;
	s10 =	sadd.s32 s30, s2  }
0xb: {  	s7 =	sshrl.u32 s7, $0x3;
	s11 =	smov.u32 @p0 s4;
	s10 =	sshrl.u32 s10, $0x3  }
0xc: {  	s9 =	sadd.s32 s7, s5;
	s5 =	sadd.s32 s8, s5;
	s7 =	ssub.s32 s28, s29  }
0xd: {  	s6 =	sadd.s32 s11, s16;
	s11 =	simm.s32 $0x2;
	s17 =	sadd.s32 $0x6C800, s5  }
0xe: {  	s5 =	smax.u32 s7, $0x1;
	s7 =	sor.u32 $0x1C02, s31;
	s8 =	sadd.s32 $0x8C00, s9  }
0xf: {  	s9 =	sadd.s32 $0x12A00, s9;
	s16 =	sadd.s32 s16, s17;
	s17 =	simm.s32 $0x0  }
.LBB2_1:
0x10: {  	[spmem:s10], [sflag:s7] =	dma.local [hbm:s6], $0x2800  }
0x11: {  	_ =	swait.ge [sflag:s11], $0x2800  }
0x12: {  	[sflag:s11] =	ssyncset.done $0x0  }
0x13: {  	[sflag:s11] =	ssyncadd.s32 $0xFFFFD800  }
0x14: {  	s18 =	sadd.s32 $0x0, s9;
	[bflag:$0x0] =	sbarrier.arrive $0xFFFF  }
0x15: {  	[tilespmem:s3], [sflag:$0x2] =	stream.linear.gather [hbm4b:s18+s3], $0x50, $0x38;
	[tilespmem:$0x16900] =	vst v63  }
0x16: {  	_ =	swait.ge [sflag:s11], $0x50  }
0x17: {  	[sflag:s11] =	ssyncset.done $0x0  }
0x18: {  	s31 =	sadd.s32 $0x0, s8;
	[sflag:s11] =	ssyncadd.s32 $0xFFFFFFB0  }
0x19: {  	[tilespmem:s12], [sflag:$0x2] =	stream.linear.gather [hbm4b:s31+s3], $0x50, $0x38;
	[tilespmem:$0x16900] =	vst v63  }
0x1a: {  	_ =	swait.ge [sflag:s11], $0x50  }
0x1b: {  	[sflag:s11] =	ssyncset.done $0x0  }
0x1c: {  	[sflag:s11] =	ssyncadd.s32 $0xFFFFFFB0  }
0x1d: {  	[tilespmem:s14], [sflag:$0x1] =	stream.indirect.gather [hbm4b:s4+s13], $0x80, s3, s13, $0xb8;
	[tilespmem:$0x16900] =	vst v63  }
0x1e: {  	_ =	swait.ge [sflag:s15], $0x2800  }
0x1f: {  	[sflag:s15] =	ssyncset.done $0x0  }
0x20: {  	[sflag:s15] =	ssyncadd.s32 $0xFFFFD800  }
0x21: {  	[spmem:s2] =	stream.indirect.scatter.add.f32 [tilespmem:s14], [sflag:$0x2], $0x80, s12, s13, $0xb8;
	[tilespmem:$0x16900] =	vst v63  }
0x22: {  	_ =	swait.ge [sflag:s11], $0x2800  }
0x23: {  	s19 =	simm.s32 $0x14;
	s18 =	simm.s32 $0xA;
	[sflag:s11] =	ssyncset.done $0x0  }
.LBB2_2:
0x24: {  	s20 =	sadd.s32 s18, s9  }
0x25: {  	[sflag:s11] =	ssyncadd.s32 $0xFFFFD800;
	s21 =	smov.u32 s19;
	s22 =	sadd.s32 $0xA, s19  }
0x26: {  	[tilespmem:s3], [sflag:$0x2] =	stream.linear.gather [hbm4b:s20+s3], $0x50, $0x38;
	[tilespmem:$0x16900] =	vst v63  }
0x27: {  	p0 =	sne.s32 s19, $0x4D8;
	_ =	swait.ge [sflag:s11], $0x50  }
0x28: {  	[sflag:s11] =	ssyncset.done $0x0  }
0x29: {  	s19 =	sadd.s32 s18, s8;
	s18 =	smov.u32 s21;
	[sflag:s11] =	ssyncadd.s32 $0xFFFFFFB0  }
0x2a: {  	[tilespmem:s12], [sflag:$0x2] =	stream.linear.gather [hbm4b:s19+s3], $0x50, $0x38;
	[tilespmem:$0x16900] =	vst v63  }
0x2b: {  	_ =	swait.ge [sflag:s11], $0x50  }
0x2c: {  	[sflag:s11] =	ssyncset.done $0x0  }
0x2d: {  	[sflag:s11] =	ssyncadd.s32 $0xFFFFFFB0  }
0x2e: {  	[tilespmem:s14], [sflag:$0x1] =	stream.indirect.gather [hbm4b:s4+s13], $0x80, s3, s13, $0xb8;
	[tilespmem:$0x16900] =	vst v63  }
0x2f: {  	_ =	swait.ge [sflag:s15], $0x2800  }
.Ltmp0:
0x30: {  	[sflag:s15] =	ssyncset.done $0x0;
	(pc) =	sbr.rel @p0 .LBB2_2-.Ltmp0, $4  }
0x31: {  	[sflag:s15] =	ssyncadd.s32 $0xFFFFD800  }
0x32: {  	[spmem:s2] =	stream.indirect.scatter.add.f32 [tilespmem:s14], [sflag:$0x2], $0x80, s12, s13, $0xb8;
	[tilespmem:$0x16900] =	vst v63  }
0x33: {  	_ =	swait.ge [sflag:s11], $0x2800  }
0x34: {  	s19 =	smov.u32 s22;
	[sflag:s11] =	ssyncset.done $0x0  }
0x35: {  	s19 =	sadd.s32 s18, s9;
	[sflag:s11] =	ssyncadd.s32 $0xFFFFD800  }
0x36: {  	[tilespmem:s3], [sflag:$0x2] =	stream.linear.gather [hbm4b:s19+s3], $0x50, $0x38;
	[tilespmem:$0x16900] =	vst v63  }
0x37: {  	_ =	swait.ge [sflag:s11], $0x50  }
0x38: {  	[sflag:s11] =	ssyncset.done $0x0  }
0x39: {  	s31 =	sadd.s32 s18, s8;
	[sflag:s11] =	ssyncadd.s32 $0xFFFFFFB0  }
0x3a: {  	[tilespmem:s12], [sflag:$0x2] =	stream.linear.gather [hbm4b:s31+s3], $0x50, $0x38;
	[tilespmem:$0x16900] =	vst v63  }
0x3b: {  	_ =	swait.ge [sflag:s11], $0x50  }
0x3c: {  	[sflag:s11] =	ssyncset.done $0x0  }
0x3d: {  	[sflag:s11] =	ssyncadd.s32 $0xFFFFFFB0  }
0x3e: {  	[tilespmem:s14], [sflag:$0x1] =	stream.indirect.gather [hbm4b:s4+s13], $0x80, s3, s13, $0xb8;
	[tilespmem:$0x16900] =	vst v63  }
0x3f: {  	_ =	swait.ge [sflag:s15], $0x2800  }
0x40: {  	[sflag:s15] =	ssyncset.done $0x0  }
0x41: {  	[sflag:s15] =	ssyncadd.s32 $0xFFFFD800  }
0x42: {  	[spmem:s2] =	stream.indirect.scatter.add.f32 [tilespmem:s14], [sflag:$0x2], $0x80, s12, s13, $0xb8;
	[tilespmem:$0x16900] =	vst v63  }
0x43: {  	_ =	swait.ge [sflag:s11], $0x2800  }
0x44: {  	s17 =	sadd.s32 $0x1, s17;
	[sflag:s11] =	ssyncset.done $0x0  }
0x45: {  	p0 =	sne.s32 s17, s5;
	[sflag:s11] =	ssyncadd.s32 $0xFFFFD800  }
.Ltmp1:
0x46: {  	[bflag:$0x0] =	sbarrier.arrive $0xFFFF;
	(pc) =	sbr.rel @p0 .LBB2_1-.Ltmp1, $4  }
0x47: {  	[hbm:s16], [sflag:s7] =	dma.local [spmem:s10], $0x2800  }
0x48: {  	_ =	swait.ge [sflag:s11], $0x2800  }
0x49: {  	[sflag:s11] =	ssyncset.done $0x0  }
0x4a: {  	[sflag:s11] =	ssyncadd.s32 $0xFFFFD800  }
0x4b: {  	_ =	sfence.sel $0x180000  }
0x4c: {  	[bflag:$0x0] =	sbarrier.arrive $0xFFFF  }
0x4d: {  	p0 =	sne.s32 s0, $0x0;
	_ =	strace $0x90000050  }
0x4e: {  	s0 =	sadd.s32 @!p0 $0x100000, s1;
	[bflag:$0x2] =	sbarrier.arrive $0xFFFF  }
0x4f: {  	[sflag:s0] =	ssyncadd.tile.s32 @!p0 $0x1;
	_ =	shalt  }
.Lfunc_end2:
_tile_overlayer_lowered:
.L_overlay_start_2:
0x50: {  	(tag) =	ssettag $0x2  }
0x51: {  	s0 =	rddreg [dreg:$0x0];
	s2 =	stileid.u32  }
0x52: {  	s1 =	rddreg [dreg:$0x1];
	p0 =	sne.s32 s2, $0x0  }
0x53: {  	s3 =	rddreg [dreg:$0x2];
	[bflag:$0x3] =	sbarrier.arrive $0xFFFF;
	s2 =	simm.s32 @!p0 $0x1C02  }
0x54: {  	[timem:s3], [sflag:s2] =	dma.local @!p0 [hbm:s0], s1  }
0x55: {  	s0 =	simm.s32 @!p0 $0x2  }
0x56: {  	_ =	swait.ge @!p0 [sflag:s0], s1  }
0x57: {  	s1 =	ssub.s32 @!p0 $0x0, s1;
	[sflag:s0] =	ssyncset.done @!p0 $0x0  }
0x58: {  	[sflag:s0] =	ssyncadd.s32 @!p0 s1  }
0x59: {  	[bflag:$0x3] =	sbarrier.arrive $0xFFFF  }
0x5a: {  	_ =	shalt  }

</sc_bundles>
